<compile_context>
chip_gen: v7x
topology: tpu7x:2x2x1
jax: 0.10.2.dev20260603
libtpu: 0.0.44.dev20260713+nightly
codegen_flags: <defaults>
</compile_context>

<pallas_src>
import functools

import jax
import jax.numpy as jnp
from jax import lax
from jax.experimental import pallas as pl
from jax.experimental.pallas import tpu as pltpu
from jax.experimental.pallas import tpu_sc as plsc

N_GLOBAL = 2048
NUM_CLIENTS = 8
L_LOCAL = 1024
TAU_C = 0.5
GAMMA = 1.0
TAU_S = 0.5

ROW_TILE = 256
_LANES = 16
_NUPD = NUM_CLIENTS * L_LOCAL * L_LOCAL


def _sorted_updates(client_adj_list, idx32):
    coff = (jnp.arange(NUM_CLIENTS, dtype=jnp.int32) * (N_GLOBAL * N_GLOBAL))[:, None, None]
    keys = (coff + idx32[:, :, None] * N_GLOBAL + idx32[:, None, :]).reshape(-1)
    vals = client_adj_list.reshape(-1)
    return lax.sort((keys, vals), dimension=0, num_keys=1, is_stable=False)


def _index_stats_body(idx_hbm, a3_out, s_out, pres_out, idx_v, cnt_v, a3_v, s_v, pres_v):
    w = lax.axis_index("s") * 2 + lax.axis_index("c")

    @pl.when(w < NUM_CLIENTS)
    def _():
        pltpu.sync_copy(idx_hbm.at[w], idx_v)

        def zero_body(i, carry):
            cnt_v[pl.ds(i * _LANES, _LANES)] = jnp.zeros((_LANES,), jnp.int32)
            return carry

        lax.fori_loop(0, N_GLOBAL // _LANES, zero_body, 0)

        ones = jnp.full((_LANES,), 1, jnp.int32)

        def scat_body(i, carry):
            v = idx_v[pl.ds(i * _LANES, _LANES)]
            plsc.addupdate_scatter(cnt_v, [v], ones)
            return carry

        lax.fori_loop(0, L_LOCAL // _LANES, scat_body, 0)

        def scan_body(i, carry):
            vec = cnt_v[pl.ds(i * _LANES, _LANES)]
            inc = plsc.cumsum(vec) + carry
            a3_v[pl.ds(i * _LANES, _LANES)] = inc
            s_v[pl.ds(i * _LANES, _LANES)] = inc - vec
            pres_v[pl.ds(i * _LANES, _LANES)] = jnp.where(vec > 0, 1.0, 0.0)
            return jnp.max(inc)

        lax.fori_loop(0, N_GLOBAL // _LANES, scan_body, jnp.int32(0))
        pltpu.sync_copy(a3_v, a3_out.at[w])
        pltpu.sync_copy(s_v, s_out.at[w])
        pltpu.sync_copy(pres_v, pres_out.at[w])


@functools.partial(
    pl.kernel,
    out_type=(
        jax.ShapeDtypeStruct((NUM_CLIENTS, N_GLOBAL), jnp.int32),
        jax.ShapeDtypeStruct((NUM_CLIENTS, N_GLOBAL), jnp.int32),
        jax.ShapeDtypeStruct((NUM_CLIENTS, N_GLOBAL), jnp.float32),
    ),
    mesh=plsc.VectorSubcoreMesh(core_axis_name="c", subcore_axis_name="s"),
    compiler_params=pltpu.CompilerParams(needs_layout_passes=False),
    scratch_types=[
        pltpu.VMEM((L_LOCAL,), jnp.int32),
        pltpu.VMEM((N_GLOBAL,), jnp.int32),
        pltpu.VMEM((N_GLOBAL,), jnp.int32),
        pltpu.VMEM((N_GLOBAL,), jnp.int32),
        pltpu.VMEM((N_GLOBAL,), jnp.float32),
    ],
)
def _index_stats(idx_hbm, a3_out, s_out, pres_out, idx_v, cnt_v, a3_v, s_v, pres_v):
    _index_stats_body(idx_hbm, a3_out, s_out, pres_out, idx_v, cnt_v, a3_v, s_v, pres_v)


def _lane_scalar(vmem_ref, g):
    vec = vmem_ref[pl.ds((g // _LANES) * _LANES, _LANES)]
    lane = g % _LANES
    sel = jnp.where(lax.iota(jnp.int32, _LANES) == lane, vec, 0)
    return jnp.max(sel)


_RB = 8
_BATCH = _RB * N_GLOBAL
_NBATCH = 512 // _RB


def _expand_body(sv_hbm, a3_hbm, s_hbm, out_hbm, a3_v, s_v, pos0, pos1, row0, row1, sem0, sem1):
    w = lax.axis_index("s") * 2 + lax.axis_index("c")
    cli = w // 4
    q = w % 4
    pltpu.sync_copy(a3_hbm.at[cli], a3_v)
    pltpu.sync_copy(s_hbm.at[cli], s_v)

    base_c = cli * (L_LOCAL * L_LOCAL)
    row_base = q * 512
    out_base = (cli * N_GLOBAL + row_base) * N_GLOBAL

    def fill_issue(bi, pos_v, row_v, sem):
        def row_body(r, carry):
            g1 = row_base + bi * _RB + r
            s_scal = _lane_scalar(s_v, g1)
            a3_scal = _lane_scalar(a3_v, g1)
            d_scal = a3_scal - s_scal
            base = base_c + s_scal * L_LOCAL - 1
            seg = r * N_GLOBAL

            def pos_body(j, c2):
                a3c = a3_v[pl.ds(j * _LANES, _LANES)]
                pos = jnp.where(d_scal > 0, jnp.maximum(base + d_scal * a3c, 0), a3c)
                pos_v[pl.ds(seg + j * _LANES, _LANES)] = pos
                return c2

            lax.fori_loop(0, N_GLOBAL // _LANES, pos_body, 0)
            return carry

        lax.fori_loop(0, _RB, row_body, 0)
        pltpu.async_copy(sv_hbm.at[pos_v], row_v, sem)

    def wait_write(bi, pos_v, row_v, sem):
        pltpu.make_async_copy(sv_hbm.at[pos_v], row_v, sem).wait()
        pltpu.sync_copy(row_v, out_hbm.at[pl.ds(out_base + bi * _BATCH, _BATCH)])

    fill_issue(0, pos0, row0, sem0)

    def k_body(k, carry):
        fill_issue(2 * k + 1, pos1, row1, sem1)
        wait_write(2 * k, pos0, row0, sem0)

        @pl.when(k < _NBATCH // 2 - 1)
        def _():
            fill_issue(2 * k + 2, pos0, row0, sem0)

        wait_write(2 * k + 1, pos1, row1, sem1)
        return carry

    lax.fori_loop(0, _NBATCH // 2, k_body, 0)


@functools.partial(
    pl.kernel,
    out_type=jax.ShapeDtypeStruct((NUM_CLIENTS * N_GLOBAL * N_GLOBAL,), jnp.float32),
    mesh=plsc.VectorSubcoreMesh(core_axis_name="c", subcore_axis_name="s"),
    compiler_params=pltpu.CompilerParams(needs_layout_passes=False),
    scratch_types=[
        pltpu.VMEM((N_GLOBAL,), jnp.int32),
        pltpu.VMEM((N_GLOBAL,), jnp.int32),
        pltpu.VMEM((_BATCH,), jnp.int32),
        pltpu.VMEM((_BATCH,), jnp.int32),
        pltpu.VMEM((_BATCH,), jnp.float32),
        pltpu.VMEM((_BATCH,), jnp.float32),
        pltpu.SemaphoreType.DMA,
        pltpu.SemaphoreType.DMA,
    ],
)
def _expand(sv_hbm, a3_hbm, s_hbm, out_hbm, a3_v, s_v, pos0, pos1, row0, row1, sem0, sem1):
    _expand_body(sv_hbm, a3_hbm, s_hbm, out_hbm, a3_v, s_v, pos0, pos1, row0, row1, sem0, sem1)


def _stats_kernel(ga_ref, pres_ref, presT_ref, out_ref, n_ref, s_ref, ss_ref, cnt_ref):
    c = pl.program_id(1)

    v = ga_ref[0]
    lane_oh = (lax.broadcasted_iota(jnp.int32, (1, NUM_CLIENTS), 1) == c).astype(jnp.float32)
    sub_oh = (lax.broadcasted_iota(jnp.int32, (NUM_CLIENTS, 1), 0) == c).astype(jnp.float32)
    rowp = jnp.sum(presT_ref[...] * lane_oh, axis=1, keepdims=True)
    colp = jnp.sum(pres_ref[...] * sub_oh, axis=0, keepdims=True)
    m = rowp * colp
    sv = v * m
    above = jnp.where(v > TAU_C, m, 0.0)

    @pl.when(c == 0)
    def _():
        n_ref[...] = m
        s_ref[...] = sv
        ss_ref[...] = sv * v
        cnt_ref[...] = above

    @pl.when(c > 0)
    def _():
        n_ref[...] += m
        s_ref[...] += sv
        ss_ref[...] += sv * v
        cnt_ref[...] += above

    @pl.when(c == NUM_CLIENTS - 1)
    def _():
        n = n_ref[...]
        nc = jnp.maximum(n, 1e-05)
        mean = s_ref[...] / nc
        var = ss_ref[...] / nc - mean * mean
        cfrac = cnt_ref[...] / nc
        score = cfrac * jnp.exp(-GAMMA * var)
        keep = jnp.logical_and(score > TAU_S, n > 1e-05)
        out_ref[...] = jnp.where(keep, mean, 0.0)


def _fused_stats(GA, pres, presT):
    grid = (N_GLOBAL // ROW_TILE, NUM_CLIENTS)
    return pl.pallas_call(
        _stats_kernel,
        grid=grid,
        in_specs=[
            pl.BlockSpec((1, ROW_TILE, N_GLOBAL), lambda t, c: (c, t, 0)),
            pl.BlockSpec((NUM_CLIENTS, N_GLOBAL), lambda t, c: (0, 0)),
            pl.BlockSpec((ROW_TILE, NUM_CLIENTS), lambda t, c: (t, 0)),
        ],
        out_specs=pl.BlockSpec((ROW_TILE, N_GLOBAL), lambda t, c: (t, 0)),
        out_shape=jax.ShapeDtypeStruct((N_GLOBAL, N_GLOBAL), jnp.float32),
        scratch_shapes=[pltpu.VMEM((ROW_TILE, N_GLOBAL), jnp.float32)] * 4,
        compiler_params=pltpu.CompilerParams(
            dimension_semantics=("parallel", "arbitrary"),
        ),
    )(GA, pres, presT)


def kernel(client_adj_list, client_node_indices):
    idx32 = client_node_indices.astype(jnp.int32)
    _, sv = _sorted_updates(client_adj_list, idx32)
    a3, s, pres = _index_stats(idx32)
    GA = _expand(sv, a3, s).reshape(NUM_CLIENTS, N_GLOBAL, N_GLOBAL)
    return _fused_stats(GA, pres, pres.T)

# --- scband reference (transcript-rebuilt; emitter-appended) ---
"""Pipeline reference for scband-federated-invariant-alignment-54391465837022 (READ-ONLY COPY).

The authoritative reference and input builder live on the scoring server;
editing this copy changes nothing except your own understanding.
"""

import jax, jax.numpy as jnp
import numpy as np

N_GLOBAL = 2048
TAU_C = 0.5
GAMMA = 1.0
TAU_S = 0.5

def setup_inputs(seed: int = 0) -> dict:
    key = jax.random.key(seed)
    k1, k2 = jax.random.split(key)
    client_adj_list = jax.random.uniform(k1, (8, 1024, 1024), dtype=jnp.float32)
    client_node_indices = jax.random.randint(k2, (8, 1024), 0, N_GLOBAL, dtype=jnp.int64)
    return {"client_adj_list": client_adj_list, "client_node_indices": client_node_indices}


def _scatter_client(local_A, idx):
    gx = idx[:, None]
    gy = idx[None, :]
    A = jnp.zeros((N_GLOBAL, N_GLOBAL), dtype=local_A.dtype).at[gx, gy].set(local_A)
    M = jnp.zeros((N_GLOBAL, N_GLOBAL), dtype=local_A.dtype).at[gx, gy].set(1.0)
    return A, M


def reference(client_adj_list, client_node_indices):
    # Scatter each client's local adjacency into the Common Node Space
    global_A_stacked, observation_mask = jax.vmap(_scatter_client)(
        client_adj_list, client_node_indices
    )
    num_observations = jnp.clip(observation_mask.sum(axis=0), 1e-05, None)
    A_mean = (global_A_stacked * observation_mask).sum(axis=0) / num_observations
    is_above_threshold = (global_A_stacked > TAU_C).astype(jnp.float32) * observation_mask
    C = is_above_threshold.sum(axis=0) / num_observations
    squared_diff = (global_A_stacked - A_mean[None, :, :]) ** 2 * observation_mask
    V = squared_diff.sum(axis=0) / num_observations
    S = C * jnp.exp(-GAMMA * V)
    M_inv = (S > TAU_S).astype(jnp.float32)
    A_inv = M_inv * A_mean
    A_inv = A_inv * (num_observations > 1e-05).astype(jnp.float32)
    return A_inv

if __name__ == "__main__":
    import jax
    _d = setup_inputs()
    print(jax.jit(kernel)(*tuple(_d.values())))

</pallas_src>

<mosaic_0001>
#map = affine_map<(d0, d1) -> (0)>
#map1 = affine_map<(d0, d1) -> (0, 0)>
module attributes {stable_mosaic.version = 14 : i64} {
  func.func @_expand(%arg0: i32, %arg1: i32, %arg2: memref<8388608xf32, #tpu.memory_space<hbm>>, %arg3: memref<8x2048xi32, #tpu.memory_space<hbm>>, %arg4: memref<8x2048xi32, #tpu.memory_space<hbm>>, %arg5: memref<33554432xf32, #tpu.memory_space<hbm>>, %arg6: memref<2048xi32, #tpu.memory_space<vmem>>, %arg7: memref<2048xi32, #tpu.memory_space<vmem>>, %arg8: memref<16384xi32, #tpu.memory_space<vmem>>, %arg9: memref<16384xi32, #tpu.memory_space<vmem>>, %arg10: memref<16384xf32, #tpu.memory_space<vmem>>, %arg11: memref<16384xf32, #tpu.memory_space<vmem>>, %arg12: memref<!tpu.dma_semaphore, #tpu.memory_space<semaphore_mem>>, %arg13: memref<!tpu.dma_semaphore, #tpu.memory_space<semaphore_mem>>) attributes {dimension_semantics = [#tpu.dimension_semantics<core_parallel>, #tpu.dimension_semantics<subcore_parallel>], iteration_bounds = array<i64: 2, 16>, scalar_prefetch = 0 : i64, scratch_operands = 8 : i64, tpu.core_type = #tpu.core_type<sc_vector_subcore>, window_params = [{transform_indices = #map}, {transform_indices = #map1}, {transform_indices = #map1}, {transform_indices = #map}]} {
    %mul3A = arith.constant 2 : i32
    %mul3A_0 = arith.muli %arg1, %mul3A : i32
    %add3A = arith.addi %mul3A_0, %arg0 : i32
    %jit3A = arith.constant 4 : i32
    %div3A = arith.divsi %add3A, %jit3A : i32
    %sign3A = arith.constant 0 : i32
    %sign3A_1 = arith.cmpi sgt, %add3A, %sign3A : i32
    %sign3A_2 = arith.extui %sign3A_1 : i1 to i32
    %sign3A_3 = arith.constant 0 : i32
    %sign3A_4 = arith.cmpi slt, %add3A, %sign3A_3 : i32
    %sign3A_5 = arith.extui %sign3A_4 : i1 to i32
    %sign3A_6 = arith.subi %sign3A_2, %sign3A_5 : i32
    %sign3A_7 = arith.constant 0 : i32
    %sign3A_8 = arith.cmpi sgt, %jit3A, %sign3A_7 : i32
    %sign3A_9 = arith.extui %sign3A_8 : i1 to i32
    %sign3A_10 = arith.constant 0 : i32
    %sign3A_11 = arith.cmpi slt, %jit3A, %sign3A_10 : i32
    %sign3A_12 = arith.extui %sign3A_11 : i1 to i32
    %sign3A_13 = arith.subi %sign3A_9, %sign3A_12 : i32
    %ne3A = arith.cmpi ne, %sign3A_6, %sign3A_13 : i32
    %rem3A = arith.remsi %add3A, %jit3A : i32
    %ne3A_14 = arith.constant 0 : i32
    %ne3A_15 = arith.cmpi ne, %rem3A, %ne3A_14 : i32
    %and3A = arith.andi %ne3A, %ne3A_15 : i1
    %sub3A = arith.constant 1 : i32
    %sub3A_16 = arith.subi %div3A, %sub3A : i32
    %select_n3A = arith.select %and3A, %sub3A_16, %div3A : i32
    %jit3A_17 = arith.constant 4 : i32
    %eq3A = arith.constant 0 : i32
    %eq3A_18 = arith.cmpi eq, %jit3A_17, %eq3A : i32
    %jit3A_19 = arith.constant 1 : i32
    %select_n3A_20 = arith.select %eq3A_18, %jit3A_19, %jit3A_17 : i32
    %rem3A_21 = arith.remsi %add3A, %select_n3A_20 : i32
    %ne3A_22 = arith.constant 0 : i32
    %ne3A_23 = arith.cmpi ne, %rem3A_21, %ne3A_22 : i32
    %lt3A = arith.constant 0 : i32
    %lt3A_24 = arith.cmpi slt, %rem3A_21, %lt3A : i32
    %lt3A_25 = arith.constant 0 : i32
    %lt3A_26 = arith.cmpi slt, %select_n3A_20, %lt3A_25 : i32
    %ne3A_27 = arith.xori %lt3A_24, %lt3A_26 : i1
    %and3A_28 = arith.andi %ne3A_27, %ne3A_23 : i1
    %add3A_29 = arith.addi %rem3A_21, %select_n3A_20 : i32
    %select_n3A_30 = arith.select %and3A_28, %add3A_29, %rem3A_21 : i32
    "tpu.region"() ({
      %run_scoped3A = tpu.sem_alloc : memref<!tpu.dma_semaphore, #tpu.memory_space<semaphore_mem>>
      %dma_start3A_52 = arith.constant 0 : i32
      %dma_start3A_53 = tpu.memref_slice %arg3[%select_n3A, %dma_start3A_52] : memref<8x2048xi32, #tpu.memory_space<hbm>> -> memref<1x2048xi32, #tpu.memory_space<hbm>>
      %dma_start3A_54 = tpu.memref_squeeze %dma_start3A_53 : memref<1x2048xi32, #tpu.memory_space<hbm>> -> memref<2048xi32, #tpu.memory_space<hbm>>
      %dma_start3A_55 = arith.constant 0 : i32
      %dma_start3A_56 = tpu.memref_slice %arg3[%select_n3A, %dma_start3A_55] : memref<8x2048xi32, #tpu.memory_space<hbm>> -> memref<1x2048xi32, #tpu.memory_space<hbm>>
      %dma_start3A_57 = tpu.memref_squeeze %dma_start3A_56 : memref<1x2048xi32, #tpu.memory_space<hbm>> -> memref<2048xi32, #tpu.memory_space<hbm>>
      tpu.enqueue_dma source(%dma_start3A_57 : memref<2048xi32, #tpu.memory_space<hbm>>) target(%arg6 : memref<2048xi32, #tpu.memory_space<vmem>>) target_semaphore(%run_scoped3A : memref<!tpu.dma_semaphore, #tpu.memory_space<semaphore_mem>>)
      %dma_wait3A = arith.constant 0 : i32
      %dma_wait3A_58 = tpu.memref_slice %arg3[%select_n3A, %dma_wait3A] : memref<8x2048xi32, #tpu.memory_space<hbm>> -> memref<1x2048xi32, #tpu.memory_space<hbm>>
      %dma_wait3A_59 = tpu.memref_squeeze %dma_wait3A_58 : memref<1x2048xi32, #tpu.memory_space<hbm>> -> memref<2048xi32, #tpu.memory_space<hbm>>
      %dma_wait3A_60 = arith.constant 0 : i32
      %dma_wait3A_61 = tpu.memref_slice %arg3[%select_n3A, %dma_wait3A_60] : memref<8x2048xi32, #tpu.memory_space<hbm>> -> memref<1x2048xi32, #tpu.memory_space<hbm>>
      %dma_wait3A_62 = tpu.memref_squeeze %dma_wait3A_61 : memref<1x2048xi32, #tpu.memory_space<hbm>> -> memref<2048xi32, #tpu.memory_space<hbm>>
      tpu.wait_dma2 semaphore(%run_scoped3A : memref<!tpu.dma_semaphore, #tpu.memory_space<semaphore_mem>>) src(%dma_wait3A_62 : memref<2048xi32, #tpu.memory_space<hbm>>) dst(%arg6 : memref<2048xi32, #tpu.memory_space<vmem>>)
      tpu.yield
    }) : () -> ()
    "tpu.region"() ({
      %run_scoped3A = tpu.sem_alloc : memref<!tpu.dma_semaphore, #tpu.memory_space<semaphore_mem>>
      %dma_start3A_52 = arith.constant 0 : i32
      %dma_start3A_53 = tpu.memref_slice %arg4[%select_n3A, %dma_start3A_52] : memref<8x2048xi32, #tpu.memory_space<hbm>> -> memref<1x2048xi32, #tpu.memory_space<hbm>>
      %dma_start3A_54 = tpu.memref_squeeze %dma_start3A_53 : memref<1x2048xi32, #tpu.memory_space<hbm>> -> memref<2048xi32, #tpu.memory_space<hbm>>
      %dma_start3A_55 = arith.constant 0 : i32
      %dma_start3A_56 = tpu.memref_slice %arg4[%select_n3A, %dma_start3A_55] : memref<8x2048xi32, #tpu.memory_space<hbm>> -> memref<1x2048xi32, #tpu.memory_space<hbm>>
      %dma_start3A_57 = tpu.memref_squeeze %dma_start3A_56 : memref<1x2048xi32, #tpu.memory_space<hbm>> -> memref<2048xi32, #tpu.memory_space<hbm>>
      tpu.enqueue_dma source(%dma_start3A_57 : memref<2048xi32, #tpu.memory_space<hbm>>) target(%arg7 : memref<2048xi32, #tpu.memory_space<vmem>>) target_semaphore(%run_scoped3A : memref<!tpu.dma_semaphore, #tpu.memory_space<semaphore_mem>>)
      %dma_wait3A = arith.constant 0 : i32
      %dma_wait3A_58 = tpu.memref_slice %arg4[%select_n3A, %dma_wait3A] : memref<8x2048xi32, #tpu.memory_space<hbm>> -> memref<1x2048xi32, #tpu.memory_space<hbm>>
      %dma_wait3A_59 = tpu.memref_squeeze %dma_wait3A_58 : memref<1x2048xi32, #tpu.memory_space<hbm>> -> memref<2048xi32, #tpu.memory_space<hbm>>
      %dma_wait3A_60 = arith.constant 0 : i32
      %dma_wait3A_61 = tpu.memref_slice %arg4[%select_n3A, %dma_wait3A_60] : memref<8x2048xi32, #tpu.memory_space<hbm>> -> memref<1x2048xi32, #tpu.memory_space<hbm>>
      %dma_wait3A_62 = tpu.memref_squeeze %dma_wait3A_61 : memref<1x2048xi32, #tpu.memory_space<hbm>> -> memref<2048xi32, #tpu.memory_space<hbm>>
      tpu.wait_dma2 semaphore(%run_scoped3A : memref<!tpu.dma_semaphore, #tpu.memory_space<semaphore_mem>>) src(%dma_wait3A_62 : memref<2048xi32, #tpu.memory_space<hbm>>) dst(%arg7 : memref<2048xi32, #tpu.memory_space<vmem>>)
      tpu.yield
    }) : () -> ()
    %mul3A_31 = arith.constant 1048576 : i32
    %mul3A_32 = arith.muli %select_n3A, %mul3A_31 : i32
    %mul3A_33 = arith.constant 512 : i32
    %mul3A_34 = arith.muli %select_n3A_30, %mul3A_33 : i32
    %mul3A_35 = arith.constant 2048 : i32
    %mul3A_36 = arith.muli %select_n3A, %mul3A_35 : i32
    %add3A_37 = arith.addi %mul3A_36, %mul3A_34 : i32
    %mul3A_38 = arith.constant 2048 : i32
    %mul3A_39 = arith.muli %add3A_37, %mul3A_38 : i32
    %scan3A = arith.constant 0 : i32
    %scan3A_40 = arith.constant 0 : i32
    %scan3A_41 = arith.constant 8 : i32
    %scan3A_42 = arith.addi %scan3A_40, %scan3A_41 : i32
    %scan3A_43 = arith.constant 1 : i32
    scf.for %scan3A_52 = %scan3A_40 to %scan3A_42 step %scan3A_43  : i32 {
      %add3A_53 = arith.constant 0 : i32
      %add3A_54 = arith.addi %mul3A_34, %add3A_53 : i32
      %add3A_55 = arith.addi %add3A_54, %scan3A_52 : i32
      %jit3A_56 = arith.constant 16 : i32
      %div3A_57 = arith.divsi %add3A_55, %jit3A_56 : i32
      %sign3A_58 = arith.constant 0 : i32
      %sign3A_59 = arith.cmpi sgt, %add3A_55, %sign3A_58 : i32
      %sign3A_60 = arith.extui %sign3A_59 : i1 to i32
      %sign3A_61 = arith.constant 0 : i32
      %sign3A_62 = arith.cmpi slt, %add3A_55, %sign3A_61 : i32
      %sign3A_63 = arith.extui %sign3A_62 : i1 to i32
      %sign3A_64 = arith.subi %sign3A_60, %sign3A_63 : i32
      %sign3A_65 = arith.constant 0 : i32
      %sign3A_66 = arith.cmpi sgt, %jit3A_56, %sign3A_65 : i32
      %sign3A_67 = arith.extui %sign3A_66 : i1 to i32
      %sign3A_68 = arith.constant 0 : i32
      %sign3A_69 = arith.cmpi slt, %jit3A_56, %sign3A_68 : i32
      %sign3A_70 = arith.extui %sign3A_69 : i1 to i32
      %sign3A_71 = arith.subi %sign3A_67, %sign3A_70 : i32
      %ne3A_72 = arith.cmpi ne, %sign3A_64, %sign3A_71 : i32
      %rem3A_73 = arith.remsi %add3A_55, %jit3A_56 : i32
      %ne3A_74 = arith.constant 0 : i32
      %ne3A_75 = arith.cmpi ne, %rem3A_73, %ne3A_74 : i32
      %and3A_76 = arith.andi %ne3A_72, %ne3A_75 : i1
      %sub3A_77 = arith.constant 1 : i32
      %sub3A_78 = arith.subi %div3A_57, %sub3A_77 : i32
      %select_n3A_79 = arith.select %and3A_76, %sub3A_78, %div3A_57 : i32
      %mul3A_80 = arith.constant 16 : i32
      %mul3A_81 = arith.muli %select_n3A_79, %mul3A_80 : i32
      %get3A = arith.index_cast %mul3A_81 : i32 to index
      %get3A_82 = tpu.vector_load %arg7[%get3A] {strides = array<i32>} : memref<2048xi32, #tpu.memory_space<vmem>>, vector<16xi32>,
      %jit3A_83 = arith.constant 16 : i32
      %eq3A_84 = arith.constant 0 : i32
      %eq3A_85 = arith.cmpi eq, %jit3A_83, %eq3A_84 : i32
      %jit3A_86 = arith.constant 1 : i32
      %select_n3A_87 = arith.select %eq3A_85, %jit3A_86, %jit3A_83 : i32
      %rem3A_88 = arith.remsi %add3A_55, %select_n3A_87 : i32
      %ne3A_89 = arith.constant 0 : i32
      %ne3A_90 = arith.cmpi ne, %rem3A_88, %ne3A_89 : i32
      %lt3A_91 = arith.constant 0 : i32
      %lt3A_92 = arith.cmpi slt, %rem3A_88, %lt3A_91 : i32
      %lt3A_93 = arith.constant 0 : i32
      %lt3A_94 = arith.cmpi slt, %select_n3A_87, %lt3A_93 : i32
      %ne3A_95 = arith.xori %lt3A_92, %lt3A_94 : i1
      %and3A_96 = arith.andi %ne3A_95, %ne3A_90 : i1
      %add3A_97 = arith.addi %rem3A_88, %select_n3A_87 : i32
      %select_n3A_98 = arith.select %and3A_96, %add3A_97, %rem3A_88 : i32
      %iota3A = tpu.iota {dimensions = array<i32: 0>} : vector<16xi32>
      %eq3A_99 = vector.broadcast %select_n3A_98 : i32 to vector<16xi32>
      %eq3A_100 = arith.cmpi eq, %iota3A, %eq3A_99 : vector<16xi32>
      %jit3A_101 = arith.constant 0 : i32
      %broadcast_in_dim3A = vector.broadcast %jit3A_101 : i32 to vector<16xi32>
      %select_n3A_102 = arith.select %eq3A_100, %get3A_82, %broadcast_in_dim3A : vector<16xi1>, vector<16xi32>
      %reduce_max3A = arith.constant true
      %reduce_max3A_103 = vector.broadcast %reduce_max3A : i1 to vector<16xi1>
      %reduce_max3A_104 = arith.constant -2147483648 : i32
      %reduce_max3A_105 = vector.broadcast %reduce_max3A_104 : i32 to vector<16xi32>
      %reduce_max3A_106 = arith.xori %select_n3A_102, %reduce_max3A_105 : vector<16xi32>
      %reduce_max3A_107 = tpu.scan <max>, %reduce_max3A_106 masked %reduce_max3A_103 : vector<16xi32>, vector<16xi1> -> vector<16xi32>
      %reduce_max3A_108 = arith.xori %reduce_max3A_107, %reduce_max3A_105 : vector<16xi32>
      %reduce_max3A_109 = vector.extract %reduce_max3A_108[15] : i32 from vector<16xi32>
      %jit3A_110 = arith.constant 16 : i32
      %div3A_111 = arith.divsi %add3A_55, %jit3A_110 : i32
      %sign3A_112 = arith.constant 0 : i32
      %sign3A_113 = arith.cmpi sgt, %add3A_55, %sign3A_112 : i32
      %sign3A_114 = arith.extui %sign3A_113 : i1 to i32
      %sign3A_115 = arith.constant 0 : i32
      %sign3A_116 = arith.cmpi slt, %add3A_55, %sign3A_115 : i32
      %sign3A_117 = arith.extui %sign3A_116 : i1 to i32
      %sign3A_118 = arith.subi %sign3A_114, %sign3A_117 : i32
      %sign3A_119 = arith.constant 0 : i32
      %sign3A_120 = arith.cmpi sgt, %jit3A_110, %sign3A_119 : i32
      %sign3A_121 = arith.extui %sign3A_120 : i1 to i32
      %sign3A_122 = arith.constant 0 : i32
      %sign3A_123 = arith.cmpi slt, %jit3A_110, %sign3A_122 : i32
      %sign3A_124 = arith.extui %sign3A_123 : i1 to i32
      %sign3A_125 = arith.subi %sign3A_121, %sign3A_124 : i32
      %ne3A_126 = arith.cmpi ne, %sign3A_118, %sign3A_125 : i32
      %rem3A_127 = arith.remsi %add3A_55, %jit3A_110 : i32
      %ne3A_128 = arith.constant 0 : i32
      %ne3A_129 = arith.cmpi ne, %rem3A_127, %ne3A_128 : i32
      %and3A_130 = arith.andi %ne3A_126, %ne3A_129 : i1
      %sub3A_131 = arith.constant 1 : i32
      %sub3A_132 = arith.subi %div3A_111, %sub3A_131 : i32
      %select_n3A_133 = arith.select %and3A_130, %sub3A_132, %div3A_111 : i32
      %mul3A_134 = arith.constant 16 : i32
      %mul3A_135 = arith.muli %select_n3A_133, %mul3A_134 : i32
      %get3A_136 = arith.index_cast %mul3A_135 : i32 to index
      %get3A_137 = tpu.vector_load %arg6[%get3A_136] {strides = array<i32>} : memref<2048xi32, #tpu.memory_space<vmem>>, vector<16xi32>,
      %jit3A_138 = arith.constant 16 : i32
      %eq3A_139 = arith.constant 0 : i32
      %eq3A_140 = arith.cmpi eq, %jit3A_138, %eq3A_139 : i32
      %jit3A_141 = arith.constant 1 : i32
      %select_n3A_142 = arith.select %eq3A_140, %jit3A_141, %jit3A_138 : i32
      %rem3A_143 = arith.remsi %add3A_55, %select_n3A_142 : i32
      %ne3A_144 = arith.constant 0 : i32
      %ne3A_145 = arith.cmpi ne, %rem3A_143, %ne3A_144 : i32
      %lt3A_146 = arith.constant 0 : i32
      %lt3A_147 = arith.cmpi slt, %rem3A_143, %lt3A_146 : i32
      %lt3A_148 = arith.constant 0 : i32
      %lt3A_149 = arith.cmpi slt, %select_n3A_142, %lt3A_148 : i32
      %ne3A_150 = arith.xori %lt3A_147, %lt3A_149 : i1
      %and3A_151 = arith.andi %ne3A_150, %ne3A_145 : i1
      %add3A_152 = arith.addi %rem3A_143, %select_n3A_142 : i32
      %select_n3A_153 = arith.select %and3A_151, %add3A_152, %rem3A_143 : i32
      %iota3A_154 = tpu.iota {dimensions = array<i32: 0>} : vector<16xi32>
      %eq3A_155 = vector.broadcast %select_n3A_153 : i32 to vector<16xi32>
      %eq3A_156 = arith.cmpi eq, %iota3A_154, %eq3A_155 : vector<16xi32>
      %jit3A_157 = arith.constant 0 : i32
      %broadcast_in_dim3A_158 = vector.broadcast %jit3A_157 : i32 to vector<16xi32>
      %select_n3A_159 = arith.select %eq3A_156, %get3A_137, %broadcast_in_dim3A_158 : vector<16xi1>, vector<16xi32>
      %reduce_max3A_160 = arith.constant true
      %reduce_max3A_161 = vector.broadcast %reduce_max3A_160 : i1 to vector<16xi1>
      %reduce_max3A_162 = arith.constant -2147483648 : i32
      %reduce_max3A_163 = vector.broadcast %reduce_max3A_162 : i32 to vector<16xi32>
      %reduce_max3A_164 = arith.xori %select_n3A_159, %reduce_max3A_163 : vector<16xi32>
      %reduce_max3A_165 = tpu.scan <max>, %reduce_max3A_164 masked %reduce_max3A_161 : vector<16xi32>, vector<16xi1> -> vector<16xi32>
      %reduce_max3A_166 = arith.xori %reduce_max3A_165, %reduce_max3A_163 : vector<16xi32>
      %reduce_max3A_167 = vector.extract %reduce_max3A_166[15] : i32 from vector<16xi32>
      %sub3A_168 = arith.subi %reduce_max3A_167, %reduce_max3A_109 : i32
      %mul3A_169 = arith.constant 1024 : i32
      %mul3A_170 = arith.muli %reduce_max3A_109, %mul3A_169 : i32
      %add3A_171 = arith.addi %mul3A_32, %mul3A_170 : i32
      %sub3A_172 = arith.constant 1 : i32
      %sub3A_173 = arith.subi %add3A_171, %sub3A_172 : i32
      %mul3A_174 = arith.constant 2048 : i32
      %mul3A_175 = arith.muli %scan3A_52, %mul3A_174 : i32
      %scan3A_176 = arith.constant 0 : i32
      %scan3A_177 = arith.constant 0 : i32
      %scan3A_178 = arith.constant 128 : i32
      %scan3A_179 = arith.addi %scan3A_177, %scan3A_178 : i32
      %scan3A_180 = arith.constant 1 : i32
      scf.for %scan3A_182 = %scan3A_177 to %scan3A_179 step %scan3A_180  : i32 {
        %mul3A_183 = arith.constant 16 : i32
        %mul3A_184 = arith.muli %scan3A_182, %mul3A_183 : i32
        %get3A_185 = arith.index_cast %mul3A_184 : i32 to index
        %get3A_186 = tpu.vector_load %arg6[%get3A_185] {strides = array<i32>} : memref<2048xi32, #tpu.memory_space<vmem>>, vector<16xi32>,
        %gt3A = arith.constant 0 : i32
        %gt3A_187 = arith.cmpi sgt, %sub3A_168, %gt3A : i32
        %mul3A_188 = vector.broadcast %sub3A_168 : i32 to vector<16xi32>
        %mul3A_189 = arith.muli %mul3A_188, %get3A_186 : vector<16xi32>
        %add3A_190 = vector.broadcast %sub3A_173 : i32 to vector<16xi32>
        %add3A_191 = arith.addi %add3A_190, %mul3A_189 : vector<16xi32>
        %max3A = arith.constant 0 : i32
        %max3A_192 = vector.broadcast %max3A : i32 to vector<16xi32>
        %max3A_193 = arith.maxsi %add3A_191, %max3A_192 : vector<16xi32>
        %select_n3A_194 = arith.select %gt3A_187, %max3A_193, %get3A_186 : vector<16xi32>
        %mul3A_195 = arith.constant 16 : i32
        %mul3A_196 = arith.muli %scan3A_182, %mul3A_195 : i32
        %add3A_197 = arith.addi %mul3A_175, %mul3A_196 : i32
        %swap3A = arith.index_cast %add3A_197 : i32 to index
        %swap3A_198 = tpu.vector_load %arg8[%swap3A] {strides = array<i32>} : memref<16384xi32, #tpu.memory_space<vmem>>, vector<16xi32>,
        tpu.vector_store %arg8[%swap3A], %select_n3A_194 {strides = array<i32>} : memref<16384xi32, #tpu.memory_space<vmem>>, vector<16xi32>,
      }
      %scan3A_181 = arith.constant 128 : i32
    }
    %scan3A_44 = arith.constant 8 : i32
    %dma_start3A = arith.constant 0 : i32
    %dma_start3A_45 = tpu.memref_slice %arg2[%dma_start3A] : memref<8388608xf32, #tpu.memory_space<hbm>> -> memref<8388608xf32, #tpu.memory_space<hbm>>
    tpu.enqueue_indirect_dma source(%dma_start3A_45 : memref<8388608xf32, #tpu.memory_space<hbm>>) target(%arg10 : memref<16384xf32, #tpu.memory_space<vmem>>) offsets(%arg8 : memref<16384xi32, #tpu.memory_space<vmem>>) semaphore(%arg12 : memref<!tpu.dma_semaphore, #tpu.memory_space<semaphore_mem>>)
    %scan3A_46 = arith.constant 0 : i32
    %scan3A_47 = arith.constant 0 : i32
    %scan3A_48 = arith.constant 32 : i32
    %scan3A_49 = arith.addi %scan3A_47, %scan3A_48 : i32
    %scan3A_50 = arith.constant 1 : i32
    scf.for %scan3A_52 = %scan3A_47 to %scan3A_49 step %scan3A_50  : i32 {
      %mul3A_53 = arith.constant 2 : i32
      %mul3A_54 = arith.muli %mul3A_53, %scan3A_52 : i32
      %add3A_55 = arith.constant 1 : i32
      %add3A_56 = arith.addi %mul3A_54, %add3A_55 : i32
      %scan3A_57 = arith.constant 0 : i32
      %scan3A_58 = arith.constant 0 : i32
      %scan3A_59 = arith.constant 8 : i32
      %scan3A_60 = arith.addi %scan3A_58, %scan3A_59 : i32
      %scan3A_61 = arith.constant 1 : i32
      scf.for %scan3A_83 = %scan3A_58 to %scan3A_60 step %scan3A_61  : i32 {
        %mul3A_84 = arith.constant 8 : i32
        %mul3A_85 = arith.muli %add3A_56, %mul3A_84 : i32
        %add3A_86 = arith.addi %mul3A_34, %mul3A_85 : i32
        %add3A_87 = arith.addi %add3A_86, %scan3A_83 : i32
        %jit3A_88 = arith.constant 16 : i32
        %div3A_89 = arith.divsi %add3A_87, %jit3A_88 : i32
        %sign3A_90 = arith.constant 0 : i32
        %sign3A_91 = arith.cmpi sgt, %add3A_87, %sign3A_90 : i32
        %sign3A_92 = arith.extui %sign3A_91 : i1 to i32
        %sign3A_93 = arith.constant 0 : i32
        %sign3A_94 = arith.cmpi slt, %add3A_87, %sign3A_93 : i32
        %sign3A_95 = arith.extui %sign3A_94 : i1 to i32
        %sign3A_96 = arith.subi %sign3A_92, %sign3A_95 : i32
        %sign3A_97 = arith.constant 0 : i32
        %sign3A_98 = arith.cmpi sgt, %jit3A_88, %sign3A_97 : i32
        %sign3A_99 = arith.extui %sign3A_98 : i1 to i32
        %sign3A_100 = arith.constant 0 : i32
        %sign3A_101 = arith.cmpi slt, %jit3A_88, %sign3A_100 : i32
        %sign3A_102 = arith.extui %sign3A_101 : i1 to i32
        %sign3A_103 = arith.subi %sign3A_99, %sign3A_102 : i32
        %ne3A_104 = arith.cmpi ne, %sign3A_96, %sign3A_103 : i32
        %rem3A_105 = arith.remsi %add3A_87, %jit3A_88 : i32
        %ne3A_106 = arith.constant 0 : i32
        %ne3A_107 = arith.cmpi ne, %rem3A_105, %ne3A_106 : i32
        %and3A_108 = arith.andi %ne3A_104, %ne3A_107 : i1
        %sub3A_109 = arith.constant 1 : i32
        %sub3A_110 = arith.subi %div3A_89, %sub3A_109 : i32
        %select_n3A_111 = arith.select %and3A_108, %sub3A_110, %div3A_89 : i32
        %mul3A_112 = arith.constant 16 : i32
        %mul3A_113 = arith.muli %select_n3A_111, %mul3A_112 : i32
        %get3A = arith.index_cast %mul3A_113 : i32 to index
        %get3A_114 = tpu.vector_load %arg7[%get3A] {strides = array<i32>} : memref<2048xi32, #tpu.memory_space<vmem>>, vector<16xi32>,
        %jit3A_115 = arith.constant 16 : i32
        %eq3A_116 = arith.constant 0 : i32
        %eq3A_117 = arith.cmpi eq, %jit3A_115, %eq3A_116 : i32
        %jit3A_118 = arith.constant 1 : i32
        %select_n3A_119 = arith.select %eq3A_117, %jit3A_118, %jit3A_115 : i32
        %rem3A_120 = arith.remsi %add3A_87, %select_n3A_119 : i32
        %ne3A_121 = arith.constant 0 : i32
        %ne3A_122 = arith.cmpi ne, %rem3A_120, %ne3A_121 : i32
        %lt3A_123 = arith.constant 0 : i32
        %lt3A_124 = arith.cmpi slt, %rem3A_120, %lt3A_123 : i32
        %lt3A_125 = arith.constant 0 : i32
        %lt3A_126 = arith.cmpi slt, %select_n3A_119, %lt3A_125 : i32
        %ne3A_127 = arith.xori %lt3A_124, %lt3A_126 : i1
        %and3A_128 = arith.andi %ne3A_127, %ne3A_122 : i1
        %add3A_129 = arith.addi %rem3A_120, %select_n3A_119 : i32
        %select_n3A_130 = arith.select %and3A_128, %add3A_129, %rem3A_120 : i32
        %iota3A = tpu.iota {dimensions = array<i32: 0>} : vector<16xi32>
        %eq3A_131 = vector.broadcast %select_n3A_130 : i32 to vector<16xi32>
        %eq3A_132 = arith.cmpi eq, %iota3A, %eq3A_131 : vector<16xi32>
        %jit3A_133 = arith.constant 0 : i32
        %broadcast_in_dim3A = vector.broadcast %jit3A_133 : i32 to vector<16xi32>
        %select_n3A_134 = arith.select %eq3A_132, %get3A_114, %broadcast_in_dim3A : vector<16xi1>, vector<16xi32>
        %reduce_max3A = arith.constant true
        %reduce_max3A_135 = vector.broadcast %reduce_max3A : i1 to vector<16xi1>
        %reduce_max3A_136 = arith.constant -2147483648 : i32
        %reduce_max3A_137 = vector.broadcast %reduce_max3A_136 : i32 to vector<16xi32>
        %reduce_max3A_138 = arith.xori %select_n3A_134, %reduce_max3A_137 : vector<16xi32>
        %reduce_max3A_139 = tpu.scan <max>, %reduce_max3A_138 masked %reduce_max3A_135 : vector<16xi32>, vector<16xi1> -> vector<16xi32>
        %reduce_max3A_140 = arith.xori %reduce_max3A_139, %reduce_max3A_137 : vector<16xi32>
        %reduce_max3A_141 = vector.extract %reduce_max3A_140[15] : i32 from vector<16xi32>
        %jit3A_142 = arith.constant 16 : i32
        %div3A_143 = arith.divsi %add3A_87, %jit3A_142 : i32
        %sign3A_144 = arith.constant 0 : i32
        %sign3A_145 = arith.cmpi sgt, %add3A_87, %sign3A_144 : i32
        %sign3A_146 = arith.extui %sign3A_145 : i1 to i32
        %sign3A_147 = arith.constant 0 : i32
        %sign3A_148 = arith.cmpi slt, %add3A_87, %sign3A_147 : i32
        %sign3A_149 = arith.extui %sign3A_148 : i1 to i32
        %sign3A_150 = arith.subi %sign3A_146, %sign3A_149 : i32
        %sign3A_151 = arith.constant 0 : i32
        %sign3A_152 = arith.cmpi sgt, %jit3A_142, %sign3A_151 : i32
        %sign3A_153 = arith.extui %sign3A_152 : i1 to i32
        %sign3A_154 = arith.constant 0 : i32
        %sign3A_155 = arith.cmpi slt, %jit3A_142, %sign3A_154 : i32
        %sign3A_156 = arith.extui %sign3A_155 : i1 to i32
        %sign3A_157 = arith.subi %sign3A_153, %sign3A_156 : i32
        %ne3A_158 = arith.cmpi ne, %sign3A_150, %sign3A_157 : i32
        %rem3A_159 = arith.remsi %add3A_87, %jit3A_142 : i32
        %ne3A_160 = arith.constant 0 : i32
        %ne3A_161 = arith.cmpi ne, %rem3A_159, %ne3A_160 : i32
        %and3A_162 = arith.andi %ne3A_158, %ne3A_161 : i1
        %sub3A_163 = arith.constant 1 : i32
        %sub3A_164 = arith.subi %div3A_143, %sub3A_163 : i32
        %select_n3A_165 = arith.select %and3A_162, %sub3A_164, %div3A_143 : i32
        %mul3A_166 = arith.constant 16 : i32
        %mul3A_167 = arith.muli %select_n3A_165, %mul3A_166 : i32
        %get3A_168 = arith.index_cast %mul3A_167 : i32 to index
        %get3A_169 = tpu.vector_load %arg6[%get3A_168] {strides = array<i32>} : memref<2048xi32, #tpu.memory_space<vmem>>, vector<16xi32>,
        %jit3A_170 = arith.constant 16 : i32
        %eq3A_171 = arith.constant 0 : i32
        %eq3A_172 = arith.cmpi eq, %jit3A_170, %eq3A_171 : i32
        %jit3A_173 = arith.constant 1 : i32
        %select_n3A_174 = arith.select %eq3A_172, %jit3A_173, %jit3A_170 : i32
        %rem3A_175 = arith.remsi %add3A_87, %select_n3A_174 : i32
        %ne3A_176 = arith.constant 0 : i32
        %ne3A_177 = arith.cmpi ne, %rem3A_175, %ne3A_176 : i32
        %lt3A_178 = arith.constant 0 : i32
        %lt3A_179 = arith.cmpi slt, %rem3A_175, %lt3A_178 : i32
        %lt3A_180 = arith.constant 0 : i32
        %lt3A_181 = arith.cmpi slt, %select_n3A_174, %lt3A_180 : i32
        %ne3A_182 = arith.xori %lt3A_179, %lt3A_181 : i1
        %and3A_183 = arith.andi %ne3A_182, %ne3A_177 : i1
        %add3A_184 = arith.addi %rem3A_175, %select_n3A_174 : i32
        %select_n3A_185 = arith.select %and3A_183, %add3A_184, %rem3A_175 : i32
        %iota3A_186 = tpu.iota {dimensions = array<i32: 0>} : vector<16xi32>
        %eq3A_187 = vector.broadcast %select_n3A_185 : i32 to vector<16xi32>
        %eq3A_188 = arith.cmpi eq, %iota3A_186, %eq3A_187 : vector<16xi32>
        %jit3A_189 = arith.constant 0 : i32
        %broadcast_in_dim3A_190 = vector.broadcast %jit3A_189 : i32 to vector<16xi32>
        %select_n3A_191 = arith.select %eq3A_188, %get3A_169, %broadcast_in_dim3A_190 : vector<16xi1>, vector<16xi32>
        %reduce_max3A_192 = arith.constant true
        %reduce_max3A_193 = vector.broadcast %reduce_max3A_192 : i1 to vector<16xi1>
        %reduce_max3A_194 = arith.constant -2147483648 : i32
        %reduce_max3A_195 = vector.broadcast %reduce_max3A_194 : i32 to vector<16xi32>
        %reduce_max3A_196 = arith.xori %select_n3A_191, %reduce_max3A_195 : vector<16xi32>
        %reduce_max3A_197 = tpu.scan <max>, %reduce_max3A_196 masked %reduce_max3A_193 : vector<16xi32>, vector<16xi1> -> vector<16xi32>
        %reduce_max3A_198 = arith.xori %reduce_max3A_197, %reduce_max3A_195 : vector<16xi32>
        %reduce_max3A_199 = vector.extract %reduce_max3A_198[15] : i32 from vector<16xi32>
        %sub3A_200 = arith.subi %reduce_max3A_199, %reduce_max3A_141 : i32
        %mul3A_201 = arith.constant 1024 : i32
        %mul3A_202 = arith.muli %reduce_max3A_141, %mul3A_201 : i32
        %add3A_203 = arith.addi %mul3A_32, %mul3A_202 : i32
        %sub3A_204 = arith.constant 1 : i32
        %sub3A_205 = arith.subi %add3A_203, %sub3A_204 : i32
        %mul3A_206 = arith.constant 2048 : i32
        %mul3A_207 = arith.muli %scan3A_83, %mul3A_206 : i32
        %scan3A_208 = arith.constant 0 : i32
        %scan3A_209 = arith.constant 0 : i32
        %scan3A_210 = arith.constant 128 : i32
        %scan3A_211 = arith.addi %scan3A_209, %scan3A_210 : i32
        %scan3A_212 = arith.constant 1 : i32
        scf.for %scan3A_214 = %scan3A_209 to %scan3A_211 step %scan3A_212  : i32 {
          %mul3A_215 = arith.constant 16 : i32
          %mul3A_216 = arith.muli %scan3A_214, %mul3A_215 : i32
          %get3A_217 = arith.index_cast %mul3A_216 : i32 to index
          %get3A_218 = tpu.vector_load %arg6[%get3A_217] {strides = array<i32>} : memref<2048xi32, #tpu.memory_space<vmem>>, vector<16xi32>,
          %gt3A = arith.constant 0 : i32
          %gt3A_219 = arith.cmpi sgt, %sub3A_200, %gt3A : i32
          %mul3A_220 = vector.broadcast %sub3A_200 : i32 to vector<16xi32>
          %mul3A_221 = arith.muli %mul3A_220, %get3A_218 : vector<16xi32>
          %add3A_222 = vector.broadcast %sub3A_205 : i32 to vector<16xi32>
          %add3A_223 = arith.addi %add3A_222, %mul3A_221 : vector<16xi32>
          %max3A = arith.constant 0 : i32
          %max3A_224 = vector.broadcast %max3A : i32 to vector<16xi32>
          %max3A_225 = arith.maxsi %add3A_223, %max3A_224 : vector<16xi32>
          %select_n3A_226 = arith.select %gt3A_219, %max3A_225, %get3A_218 : vector<16xi32>
          %mul3A_227 = arith.constant 16 : i32
          %mul3A_228 = arith.muli %scan3A_214, %mul3A_227 : i32
          %add3A_229 = arith.addi %mul3A_207, %mul3A_228 : i32
          %swap3A = arith.index_cast %add3A_229 : i32 to index
          %swap3A_230 = tpu.vector_load %arg9[%swap3A] {strides = array<i32>} : memref<16384xi32, #tpu.memory_space<vmem>>, vector<16xi32>,
          tpu.vector_store %arg9[%swap3A], %select_n3A_226 {strides = array<i32>} : memref<16384xi32, #tpu.memory_space<vmem>>, vector<16xi32>,
        }
        %scan3A_213 = arith.constant 128 : i32
      }
      %scan3A_62 = arith.constant 8 : i32
      %dma_start3A_63 = arith.constant 0 : i32
      %dma_start3A_64 = tpu.memref_slice %arg2[%dma_start3A_63] : memref<8388608xf32, #tpu.memory_space<hbm>> -> memref<8388608xf32, #tpu.memory_space<hbm>>
      tpu.enqueue_indirect_dma source(%dma_start3A_64 : memref<8388608xf32, #tpu.memory_space<hbm>>) target(%arg11 : memref<16384xf32, #tpu.memory_space<vmem>>) offsets(%arg9 : memref<16384xi32, #tpu.memory_space<vmem>>) semaphore(%arg13 : memref<!tpu.dma_semaphore, #tpu.memory_space<semaphore_mem>>)
      %mul3A_65 = arith.constant 2 : i32
      %mul3A_66 = arith.muli %mul3A_65, %scan3A_52 : i32
      %dma_wait3A = arith.constant 0 : i32
      %dma_wait3A_67 = tpu.memref_slice %arg2[%dma_wait3A] : memref<8388608xf32, #tpu.memory_space<hbm>> -> memref<8388608xf32, #tpu.memory_space<hbm>>
      tpu.wait_indirect_dma semaphore(%arg12 : memref<!tpu.dma_semaphore, #tpu.memory_space<semaphore_mem>>) src(%dma_wait3A_67 : memref<8388608xf32, #tpu.memory_space<hbm>>) dst(%arg10 : memref<16384xf32, #tpu.memory_space<vmem>>)
      %mul3A_68 = arith.constant 16384 : i32
      %mul3A_69 = arith.muli %mul3A_66, %mul3A_68 : i32
      %add3A_70 = arith.addi %mul3A_39, %mul3A_69 : i32
      "tpu.region"() ({
        %run_scoped3A = tpu.sem_alloc : memref<!tpu.dma_semaphore, #tpu.memory_space<semaphore_mem>>
        %dma_start3A_83 = tpu.memref_slice %arg5[%add3A_70] : memref<33554432xf32, #tpu.memory_space<hbm>> -> memref<16384xf32, #tpu.memory_space<hbm>>
        %dma_start3A_84 = tpu.memref_slice %arg5[%add3A_70] : memref<33554432xf32, #tpu.memory_space<hbm>> -> memref<16384xf32, #tpu.memory_space<hbm>>
        tpu.enqueue_dma source(%arg10 : memref<16384xf32, #tpu.memory_space<vmem>>) target(%dma_start3A_84 : memref<16384xf32, #tpu.memory_space<hbm>>) target_semaphore(%run_scoped3A : memref<!tpu.dma_semaphore, #tpu.memory_space<semaphore_mem>>)
        %dma_wait3A_85 = tpu.memref_slice %arg5[%add3A_70] : memref<33554432xf32, #tpu.memory_space<hbm>> -> memref<16384xf32, #tpu.memory_space<hbm>>
        %dma_wait3A_86 = tpu.memref_slice %arg5[%add3A_70] : memref<33554432xf32, #tpu.memory_space<hbm>> -> memref<16384xf32, #tpu.memory_space<hbm>>
        tpu.wait_dma2 semaphore(%run_scoped3A : memref<!tpu.dma_semaphore, #tpu.memory_space<semaphore_mem>>) src(%arg10 : memref<16384xf32, #tpu.memory_space<vmem>>) dst(%dma_wait3A_86 : memref<16384xf32, #tpu.memory_space<hbm>>)
        tpu.yield
      }) : () -> ()
      %lt3A_71 = arith.constant 31 : i32
      %lt3A_72 = arith.cmpi slt, %scan3A_52, %lt3A_71 : i32
      %convert_element_type3A = arith.extui %lt3A_72 : i1 to i32
      %cond3A = arith.constant 0 : i32
      %cond3A_73 = arith.cmpi ne, %convert_element_type3A, %cond3A : i32
      scf.if %cond3A_73 {
        %mul3A_83 = arith.constant 2 : i32
        %mul3A_84 = arith.muli %mul3A_83, %scan3A_52 : i32
        %add3A_85 = arith.constant 2 : i32
        %add3A_86 = arith.addi %mul3A_84, %add3A_85 : i32
        %scan3A_87 = arith.constant 0 : i32
        %scan3A_88 = arith.constant 0 : i32
        %scan3A_89 = arith.constant 8 : i32
        %scan3A_90 = arith.addi %scan3A_88, %scan3A_89 : i32
        %scan3A_91 = arith.constant 1 : i32
        scf.for %scan3A_95 = %scan3A_88 to %scan3A_90 step %scan3A_91  : i32 {
          %mul3A_96 = arith.constant 8 : i32
          %mul3A_97 = arith.muli %add3A_86, %mul3A_96 : i32
          %add3A_98 = arith.addi %mul3A_34, %mul3A_97 : i32
          %add3A_99 = arith.addi %add3A_98, %scan3A_95 : i32
          %jit3A_100 = arith.constant 16 : i32
          %div3A_101 = arith.divsi %add3A_99, %jit3A_100 : i32
          %sign3A_102 = arith.constant 0 : i32
          %sign3A_103 = arith.cmpi sgt, %add3A_99, %sign3A_102 : i32
          %sign3A_104 = arith.extui %sign3A_103 : i1 to i32
          %sign3A_105 = arith.constant 0 : i32
          %sign3A_106 = arith.cmpi slt, %add3A_99, %sign3A_105 : i32
          %sign3A_107 = arith.extui %sign3A_106 : i1 to i32
          %sign3A_108 = arith.subi %sign3A_104, %sign3A_107 : i32
          %sign3A_109 = arith.constant 0 : i32
          %sign3A_110 = arith.cmpi sgt, %jit3A_100, %sign3A_109 : i32
          %sign3A_111 = arith.extui %sign3A_110 : i1 to i32
          %sign3A_112 = arith.constant 0 : i32
          %sign3A_113 = arith.cmpi slt, %jit3A_100, %sign3A_112 : i32
          %sign3A_114 = arith.extui %sign3A_113 : i1 to i32
          %sign3A_115 = arith.subi %sign3A_111, %sign3A_114 : i32
          %ne3A_116 = arith.cmpi ne, %sign3A_108, %sign3A_115 : i32
          %rem3A_117 = arith.remsi %add3A_99, %jit3A_100 : i32
          %ne3A_118 = arith.constant 0 : i32
          %ne3A_119 = arith.cmpi ne, %rem3A_117, %ne3A_118 : i32
          %and3A_120 = arith.andi %ne3A_116, %ne3A_119 : i1
          %sub3A_121 = arith.constant 1 : i32
          %sub3A_122 = arith.subi %div3A_101, %sub3A_121 : i32
          %select_n3A_123 = arith.select %and3A_120, %sub3A_122, %div3A_101 : i32
          %mul3A_124 = arith.constant 16 : i32
          %mul3A_125 = arith.muli %select_n3A_123, %mul3A_124 : i32
          %get3A = arith.index_cast %mul3A_125 : i32 to index
          %get3A_126 = tpu.vector_load %arg7[%get3A] {strides = array<i32>} : memref<2048xi32, #tpu.memory_space<vmem>>, vector<16xi32>,
          %jit3A_127 = arith.constant 16 : i32
          %eq3A_128 = arith.constant 0 : i32
          %eq3A_129 = arith.cmpi eq, %jit3A_127, %eq3A_128 : i32
          %jit3A_130 = arith.constant 1 : i32
          %select_n3A_131 = arith.select %eq3A_129, %jit3A_130, %jit3A_127 : i32
          %rem3A_132 = arith.remsi %add3A_99, %select_n3A_131 : i32
          %ne3A_133 = arith.constant 0 : i32
          %ne3A_134 = arith.cmpi ne, %rem3A_132, %ne3A_133 : i32
          %lt3A_135 = arith.constant 0 : i32
          %lt3A_136 = arith.cmpi slt, %rem3A_132, %lt3A_135 : i32
          %lt3A_137 = arith.constant 0 : i32
          %lt3A_138 = arith.cmpi slt, %select_n3A_131, %lt3A_137 : i32
          %ne3A_139 = arith.xori %lt3A_136, %lt3A_138 : i1
          %and3A_140 = arith.andi %ne3A_139, %ne3A_134 : i1
          %add3A_141 = arith.addi %rem3A_132, %select_n3A_131 : i32
          %select_n3A_142 = arith.select %and3A_140, %add3A_141, %rem3A_132 : i32
          %iota3A = tpu.iota {dimensions = array<i32: 0>} : vector<16xi32>
          %eq3A_143 = vector.broadcast %select_n3A_142 : i32 to vector<16xi32>
          %eq3A_144 = arith.cmpi eq, %iota3A, %eq3A_143 : vector<16xi32>
          %jit3A_145 = arith.constant 0 : i32
          %broadcast_in_dim3A = vector.broadcast %jit3A_145 : i32 to vector<16xi32>
          %select_n3A_146 = arith.select %eq3A_144, %get3A_126, %broadcast_in_dim3A : vector<16xi1>, vector<16xi32>
          %reduce_max3A = arith.constant true
          %reduce_max3A_147 = vector.broadcast %reduce_max3A : i1 to vector<16xi1>
          %reduce_max3A_148 = arith.constant -2147483648 : i32
          %reduce_max3A_149 = vector.broadcast %reduce_max3A_148 : i32 to vector<16xi32>
          %reduce_max3A_150 = arith.xori %select_n3A_146, %reduce_max3A_149 : vector<16xi32>
          %reduce_max3A_151 = tpu.scan <max>, %reduce_max3A_150 masked %reduce_max3A_147 : vector<16xi32>, vector<16xi1> -> vector<16xi32>
          %reduce_max3A_152 = arith.xori %reduce_max3A_151, %reduce_max3A_149 : vector<16xi32>
          %reduce_max3A_153 = vector.extract %reduce_max3A_152[15] : i32 from vector<16xi32>
          %jit3A_154 = arith.constant 16 : i32
          %div3A_155 = arith.divsi %add3A_99, %jit3A_154 : i32
          %sign3A_156 = arith.constant 0 : i32
          %sign3A_157 = arith.cmpi sgt, %add3A_99, %sign3A_156 : i32
          %sign3A_158 = arith.extui %sign3A_157 : i1 to i32
          %sign3A_159 = arith.constant 0 : i32
          %sign3A_160 = arith.cmpi slt, %add3A_99, %sign3A_159 : i32
          %sign3A_161 = arith.extui %sign3A_160 : i1 to i32
          %sign3A_162 = arith.subi %sign3A_158, %sign3A_161 : i32
          %sign3A_163 = arith.constant 0 : i32
          %sign3A_164 = arith.cmpi sgt, %jit3A_154, %sign3A_163 : i32
          %sign3A_165 = arith.extui %sign3A_164 : i1 to i32
          %sign3A_166 = arith.constant 0 : i32
          %sign3A_167 = arith.cmpi slt, %jit3A_154, %sign3A_166 : i32
          %sign3A_168 = arith.extui %sign3A_167 : i1 to i32
          %sign3A_169 = arith.subi %sign3A_165, %sign3A_168 : i32
          %ne3A_170 = arith.cmpi ne, %sign3A_162, %sign3A_169 : i32
          %rem3A_171 = arith.remsi %add3A_99, %jit3A_154 : i32
          %ne3A_172 = arith.constant 0 : i32
          %ne3A_173 = arith.cmpi ne, %rem3A_171, %ne3A_172 : i32
          %and3A_174 = arith.andi %ne3A_170, %ne3A_173 : i1
          %sub3A_175 = arith.constant 1 : i32
          %sub3A_176 = arith.subi %div3A_155, %sub3A_175 : i32
          %select_n3A_177 = arith.select %and3A_174, %sub3A_176, %div3A_155 : i32
          %mul3A_178 = arith.constant 16 : i32
          %mul3A_179 = arith.muli %select_n3A_177, %mul3A_178 : i32
          %get3A_180 = arith.index_cast %mul3A_179 : i32 to index
          %get3A_181 = tpu.vector_load %arg6[%get3A_180] {strides = array<i32>} : memref<2048xi32, #tpu.memory_space<vmem>>, vector<16xi32>,
          %jit3A_182 = arith.constant 16 : i32
          %eq3A_183 = arith.constant 0 : i32
          %eq3A_184 = arith.cmpi eq, %jit3A_182, %eq3A_183 : i32
          %jit3A_185 = arith.constant 1 : i32
          %select_n3A_186 = arith.select %eq3A_184, %jit3A_185, %jit3A_182 : i32
          %rem3A_187 = arith.remsi %add3A_99, %select_n3A_186 : i32
          %ne3A_188 = arith.constant 0 : i32
          %ne3A_189 = arith.cmpi ne, %rem3A_187, %ne3A_188 : i32
          %lt3A_190 = arith.constant 0 : i32
          %lt3A_191 = arith.cmpi slt, %rem3A_187, %lt3A_190 : i32
          %lt3A_192 = arith.constant 0 : i32
          %lt3A_193 = arith.cmpi slt, %select_n3A_186, %lt3A_192 : i32
          %ne3A_194 = arith.xori %lt3A_191, %lt3A_193 : i1
          %and3A_195 = arith.andi %ne3A_194, %ne3A_189 : i1
          %add3A_196 = arith.addi %rem3A_187, %select_n3A_186 : i32
          %select_n3A_197 = arith.select %and3A_195, %add3A_196, %rem3A_187 : i32
          %iota3A_198 = tpu.iota {dimensions = array<i32: 0>} : vector<16xi32>
          %eq3A_199 = vector.broadcast %select_n3A_197 : i32 to vector<16xi32>
          %eq3A_200 = arith.cmpi eq, %iota3A_198, %eq3A_199 : vector<16xi32>
          %jit3A_201 = arith.constant 0 : i32
          %broadcast_in_dim3A_202 = vector.broadcast %jit3A_201 : i32 to vector<16xi32>
          %select_n3A_203 = arith.select %eq3A_200, %get3A_181, %broadcast_in_dim3A_202 : vector<16xi1>, vector<16xi32>
          %reduce_max3A_204 = arith.constant true
          %reduce_max3A_205 = vector.broadcast %reduce_max3A_204 : i1 to vector<16xi1>
          %reduce_max3A_206 = arith.constant -2147483648 : i32
          %reduce_max3A_207 = vector.broadcast %reduce_max3A_206 : i32 to vector<16xi32>
          %reduce_max3A_208 = arith.xori %select_n3A_203, %reduce_max3A_207 : vector<16xi32>
          %reduce_max3A_209 = tpu.scan <max>, %reduce_max3A_208 masked %reduce_max3A_205 : vector<16xi32>, vector<16xi1> -> vector<16xi32>
          %reduce_max3A_210 = arith.xori %reduce_max3A_209, %reduce_max3A_207 : vector<16xi32>
          %reduce_max3A_211 = vector.extract %reduce_max3A_210[15] : i32 from vector<16xi32>
          %sub3A_212 = arith.subi %reduce_max3A_211, %reduce_max3A_153 : i32
          %mul3A_213 = arith.constant 1024 : i32
          %mul3A_214 = arith.muli %reduce_max3A_153, %mul3A_213 : i32
          %add3A_215 = arith.addi %mul3A_32, %mul3A_214 : i32
          %sub3A_216 = arith.constant 1 : i32
          %sub3A_217 = arith.subi %add3A_215, %sub3A_216 : i32
          %mul3A_218 = arith.constant 2048 : i32
          %mul3A_219 = arith.muli %scan3A_95, %mul3A_218 : i32
          %scan3A_220 = arith.constant 0 : i32
          %scan3A_221 = arith.constant 0 : i32
          %scan3A_222 = arith.constant 128 : i32
          %scan3A_223 = arith.addi %scan3A_221, %scan3A_222 : i32
          %scan3A_224 = arith.constant 1 : i32
          scf.for %scan3A_226 = %scan3A_221 to %scan3A_223 step %scan3A_224  : i32 {
            %mul3A_227 = arith.constant 16 : i32
            %mul3A_228 = arith.muli %scan3A_226, %mul3A_227 : i32
            %get3A_229 = arith.index_cast %mul3A_228 : i32 to index
            %get3A_230 = tpu.vector_load %arg6[%get3A_229] {strides = array<i32>} : memref<2048xi32, #tpu.memory_space<vmem>>, vector<16xi32>,
            %gt3A = arith.constant 0 : i32
            %gt3A_231 = arith.cmpi sgt, %sub3A_212, %gt3A : i32
            %mul3A_232 = vector.broadcast %sub3A_212 : i32 to vector<16xi32>
            %mul3A_233 = arith.muli %mul3A_232, %get3A_230 : vector<16xi32>
            %add3A_234 = vector.broadcast %sub3A_217 : i32 to vector<16xi32>
            %add3A_235 = arith.addi %add3A_234, %mul3A_233 : vector<16xi32>
            %max3A = arith.constant 0 : i32
            %max3A_236 = vector.broadcast %max3A : i32 to vector<16xi32>
            %max3A_237 = arith.maxsi %add3A_235, %max3A_236 : vector<16xi32>
            %select_n3A_238 = arith.select %gt3A_231, %max3A_237, %get3A_230 : vector<16xi32>
            %mul3A_239 = arith.constant 16 : i32
            %mul3A_240 = arith.muli %scan3A_226, %mul3A_239 : i32
            %add3A_241 = arith.addi %mul3A_219, %mul3A_240 : i32
            %swap3A = arith.index_cast %add3A_241 : i32 to index
            %swap3A_242 = tpu.vector_load %arg8[%swap3A] {strides = array<i32>} : memref<16384xi32, #tpu.memory_space<vmem>>, vector<16xi32>,
            tpu.vector_store %arg8[%swap3A], %select_n3A_238 {strides = array<i32>} : memref<16384xi32, #tpu.memory_space<vmem>>, vector<16xi32>,
          }
          %scan3A_225 = arith.constant 128 : i32
        }
        %scan3A_92 = arith.constant 8 : i32
        %dma_start3A_93 = arith.constant 0 : i32
        %dma_start3A_94 = tpu.memref_slice %arg2[%dma_start3A_93] : memref<8388608xf32, #tpu.memory_space<hbm>> -> memref<8388608xf32, #tpu.memory_space<hbm>>
        tpu.enqueue_indirect_dma source(%dma_start3A_94 : memref<8388608xf32, #tpu.memory_space<hbm>>) target(%arg10 : memref<16384xf32, #tpu.memory_space<vmem>>) offsets(%arg8 : memref<16384xi32, #tpu.memory_space<vmem>>) semaphore(%arg12 : memref<!tpu.dma_semaphore, #tpu.memory_space<semaphore_mem>>)
      } else {
      }
      %mul3A_74 = arith.constant 2 : i32
      %mul3A_75 = arith.muli %mul3A_74, %scan3A_52 : i32
      %add3A_76 = arith.constant 1 : i32
      %add3A_77 = arith.addi %mul3A_75, %add3A_76 : i32
      %dma_wait3A_78 = arith.constant 0 : i32
      %dma_wait3A_79 = tpu.memref_slice %arg2[%dma_wait3A_78] : memref<8388608xf32, #tpu.memory_space<hbm>> -> memref<8388608xf32, #tpu.memory_space<hbm>>
      tpu.wait_indirect_dma semaphore(%arg13 : memref<!tpu.dma_semaphore, #tpu.memory_space<semaphore_mem>>) src(%dma_wait3A_79 : memref<8388608xf32, #tpu.memory_space<hbm>>) dst(%arg11 : memref<16384xf32, #tpu.memory_space<vmem>>)
      %mul3A_80 = arith.constant 16384 : i32
      %mul3A_81 = arith.muli %add3A_77, %mul3A_80 : i32
      %add3A_82 = arith.addi %mul3A_39, %mul3A_81 : i32
      "tpu.region"() ({
        %run_scoped3A = tpu.sem_alloc : memref<!tpu.dma_semaphore, #tpu.memory_space<semaphore_mem>>
        %dma_start3A_83 = tpu.memref_slice %arg5[%add3A_82] : memref<33554432xf32, #tpu.memory_space<hbm>> -> memref<16384xf32, #tpu.memory_space<hbm>>
        %dma_start3A_84 = tpu.memref_slice %arg5[%add3A_82] : memref<33554432xf32, #tpu.memory_space<hbm>> -> memref<16384xf32, #tpu.memory_space<hbm>>
        tpu.enqueue_dma source(%arg11 : memref<16384xf32, #tpu.memory_space<vmem>>) target(%dma_start3A_84 : memref<16384xf32, #tpu.memory_space<hbm>>) target_semaphore(%run_scoped3A : memref<!tpu.dma_semaphore, #tpu.memory_space<semaphore_mem>>)
        %dma_wait3A_85 = tpu.memref_slice %arg5[%add3A_82] : memref<33554432xf32, #tpu.memory_space<hbm>> -> memref<16384xf32, #tpu.memory_space<hbm>>
        %dma_wait3A_86 = tpu.memref_slice %arg5[%add3A_82] : memref<33554432xf32, #tpu.memory_space<hbm>> -> memref<16384xf32, #tpu.memory_space<hbm>>
        tpu.wait_dma2 semaphore(%run_scoped3A : memref<!tpu.dma_semaphore, #tpu.memory_space<semaphore_mem>>) src(%arg11 : memref<16384xf32, #tpu.memory_space<vmem>>) dst(%dma_wait3A_86 : memref<16384xf32, #tpu.memory_space<hbm>>)
        tpu.yield
      }) : () -> ()
    }
    %scan3A_51 = arith.constant 32 : i32
    return
  }
}

#map = affine_map<(d0, d1) -> (0, 0)>
module attributes {stable_mosaic.version = 14 : i64} {
  func.func @_index_stats(%arg0: i32, %arg1: i32, %arg2: memref<8x1024xi32, #tpu.memory_space<hbm>>, %arg3: memref<8x2048xi32, #tpu.memory_space<hbm>>, %arg4: memref<8x2048xi32, #tpu.memory_space<hbm>>, %arg5: memref<8x2048xf32, #tpu.memory_space<hbm>>, %arg6: memref<1024xi32, #tpu.memory_space<vmem>>, %arg7: memref<2048xi32, #tpu.memory_space<vmem>>, %arg8: memref<2048xi32, #tpu.memory_space<vmem>>, %arg9: memref<2048xi32, #tpu.memory_space<vmem>>, %arg10: memref<2048xf32, #tpu.memory_space<vmem>>) attributes {dimension_semantics = [#tpu.dimension_semantics<core_parallel>, #tpu.dimension_semantics<subcore_parallel>], iteration_bounds = array<i64: 2, 16>, scalar_prefetch = 0 : i64, scratch_operands = 5 : i64, tpu.core_type = #tpu.core_type<sc_vector_subcore>, window_params = [{transform_indices = #map}, {transform_indices = #map}, {transform_indices = #map}, {transform_indices = #map}]} {
    %mul3A = arith.constant 2 : i32
    %mul3A_0 = arith.muli %arg1, %mul3A : i32
    %add3A = arith.addi %mul3A_0, %arg0 : i32
    %lt3A = arith.constant 8 : i32
    %lt3A_1 = arith.cmpi slt, %add3A, %lt3A : i32
    %convert_element_type3A = arith.extui %lt3A_1 : i1 to i32
    %cond3A = arith.constant 0 : i32
    %cond3A_2 = arith.cmpi ne, %convert_element_type3A, %cond3A : i32
    scf.if %cond3A_2 {
      "tpu.region"() ({
        %run_scoped3A = tpu.sem_alloc : memref<!tpu.dma_semaphore, #tpu.memory_space<semaphore_mem>>
        %dma_start3A = arith.constant 0 : i32
        %dma_start3A_22 = tpu.memref_slice %arg2[%add3A, %dma_start3A] : memref<8x1024xi32, #tpu.memory_space<hbm>> -> memref<1x1024xi32, #tpu.memory_space<hbm>>
        %dma_start3A_23 = tpu.memref_squeeze %dma_start3A_22 : memref<1x1024xi32, #tpu.memory_space<hbm>> -> memref<1024xi32, #tpu.memory_space<hbm>>
        %dma_start3A_24 = arith.constant 0 : i32
        %dma_start3A_25 = tpu.memref_slice %arg2[%add3A, %dma_start3A_24] : memref<8x1024xi32, #tpu.memory_space<hbm>> -> memref<1x1024xi32, #tpu.memory_space<hbm>>
        %dma_start3A_26 = tpu.memref_squeeze %dma_start3A_25 : memref<1x1024xi32, #tpu.memory_space<hbm>> -> memref<1024xi32, #tpu.memory_space<hbm>>
        tpu.enqueue_dma source(%dma_start3A_26 : memref<1024xi32, #tpu.memory_space<hbm>>) target(%arg6 : memref<1024xi32, #tpu.memory_space<vmem>>) target_semaphore(%run_scoped3A : memref<!tpu.dma_semaphore, #tpu.memory_space<semaphore_mem>>)
        %dma_wait3A = arith.constant 0 : i32
        %dma_wait3A_27 = tpu.memref_slice %arg2[%add3A, %dma_wait3A] : memref<8x1024xi32, #tpu.memory_space<hbm>> -> memref<1x1024xi32, #tpu.memory_space<hbm>>
        %dma_wait3A_28 = tpu.memref_squeeze %dma_wait3A_27 : memref<1x1024xi32, #tpu.memory_space<hbm>> -> memref<1024xi32, #tpu.memory_space<hbm>>
        %dma_wait3A_29 = arith.constant 0 : i32
        %dma_wait3A_30 = tpu.memref_slice %arg2[%add3A, %dma_wait3A_29] : memref<8x1024xi32, #tpu.memory_space<hbm>> -> memref<1x1024xi32, #tpu.memory_space<hbm>>
        %dma_wait3A_31 = tpu.memref_squeeze %dma_wait3A_30 : memref<1x1024xi32, #tpu.memory_space<hbm>> -> memref<1024xi32, #tpu.memory_space<hbm>>
        tpu.wait_dma2 semaphore(%run_scoped3A : memref<!tpu.dma_semaphore, #tpu.memory_space<semaphore_mem>>) src(%dma_wait3A_31 : memref<1024xi32, #tpu.memory_space<hbm>>) dst(%arg6 : memref<1024xi32, #tpu.memory_space<vmem>>)
        tpu.yield
      }) : () -> ()
      %scan3A = arith.constant 0 : i32
      %scan3A_3 = arith.constant 0 : i32
      %scan3A_4 = arith.constant 128 : i32
      %scan3A_5 = arith.addi %scan3A_3, %scan3A_4 : i32
      %scan3A_6 = arith.constant 1 : i32
      scf.for %scan3A_22 = %scan3A_3 to %scan3A_5 step %scan3A_6  : i32 {
        %broadcast_in_dim3A_23 = arith.constant 0 : i32
        %broadcast_in_dim3A_24 = vector.broadcast %broadcast_in_dim3A_23 : i32 to vector<16xi32>
        %mul3A_25 = arith.constant 16 : i32
        %mul3A_26 = arith.muli %scan3A_22, %mul3A_25 : i32
        %swap3A = arith.index_cast %mul3A_26 : i32 to index
        %swap3A_27 = tpu.vector_load %arg7[%swap3A] {strides = array<i32>} : memref<2048xi32, #tpu.memory_space<vmem>>, vector<16xi32>,
        tpu.vector_store %arg7[%swap3A], %broadcast_in_dim3A_24 {strides = array<i32>} : memref<2048xi32, #tpu.memory_space<vmem>>, vector<16xi32>,
      }
      %scan3A_7 = arith.constant 128 : i32
      %broadcast_in_dim3A = arith.constant 1 : i32
      %broadcast_in_dim3A_8 = vector.broadcast %broadcast_in_dim3A : i32 to vector<16xi32>
      %scan3A_9 = arith.constant 0 : i32
      %scan3A_10 = arith.constant 0 : i32
      %scan3A_11 = arith.constant 64 : i32
      %scan3A_12 = arith.addi %scan3A_10, %scan3A_11 : i32
      %scan3A_13 = arith.constant 1 : i32
      scf.for %scan3A_22 = %scan3A_10 to %scan3A_12 step %scan3A_13  : i32 {
        %mul3A_23 = arith.constant 16 : i32
        %mul3A_24 = arith.muli %scan3A_22, %mul3A_23 : i32
        %get3A = arith.index_cast %mul3A_24 : i32 to index
        %get3A_25 = tpu.vector_load %arg6[%get3A] {strides = array<i32>} : memref<1024xi32, #tpu.memory_space<vmem>>, vector<16xi32>,
        tpu.vector_store_idx %arg7[%get3A_25], %broadcast_in_dim3A_8 {add = true} : memref<2048xi32, #tpu.memory_space<vmem>>[vector<16xi32>], vector<16xi32>,
      }
      %scan3A_14 = arith.constant 64 : i32
      %scan3A_15 = arith.constant 0 : i32
      %scan3A_16 = arith.constant 0 : i32
      %scan3A_17 = arith.constant 128 : i32
      %scan3A_18 = arith.addi %scan3A_16, %scan3A_17 : i32
      %scan3A_19 = arith.constant 1 : i32
      %scan3A_20 = scf.for %scan3A_22 = %scan3A_16 to %scan3A_18 step %scan3A_19 iter_args(%scan3A_23 = %scan3A_15) -> (i32)  : i32 {
        %mul3A_24 = arith.constant 16 : i32
        %mul3A_25 = arith.muli %scan3A_22, %mul3A_24 : i32
        %get3A = arith.index_cast %mul3A_25 : i32 to index
        %get3A_26 = tpu.vector_load %arg7[%get3A] {strides = array<i32>} : memref<2048xi32, #tpu.memory_space<vmem>>, vector<16xi32>,
        %broadcast_in_dim3A_27 = arith.constant true
        %broadcast_in_dim3A_28 = vector.broadcast %broadcast_in_dim3A_27 : i1 to vector<16xi1>
        %masked_cumsum3A = tpu.scan <sum>, %get3A_26 masked %broadcast_in_dim3A_28 : vector<16xi32>, vector<16xi1> -> vector<16xi32>
        %add3A_29 = vector.broadcast %scan3A_23 : i32 to vector<16xi32>
        %add3A_30 = arith.addi %masked_cumsum3A, %add3A_29 : vector<16xi32>
        %mul3A_31 = arith.constant 16 : i32
        %mul3A_32 = arith.muli %scan3A_22, %mul3A_31 : i32
        %swap3A = arith.index_cast %mul3A_32 : i32 to index
        %swap3A_33 = tpu.vector_load %arg8[%swap3A] {strides = array<i32>} : memref<2048xi32, #tpu.memory_space<vmem>>, vector<16xi32>,
        tpu.vector_store %arg8[%swap3A], %add3A_30 {strides = array<i32>} : memref<2048xi32, #tpu.memory_space<vmem>>, vector<16xi32>,
        %sub3A = arith.subi %add3A_30, %get3A_26 : vector<16xi32>
        %mul3A_34 = arith.constant 16 : i32
        %mul3A_35 = arith.muli %scan3A_22, %mul3A_34 : i32
        %swap3A_36 = arith.index_cast %mul3A_35 : i32 to index
        %swap3A_37 = tpu.vector_load %arg9[%swap3A_36] {strides = array<i32>} : memref<2048xi32, #tpu.memory_space<vmem>>, vector<16xi32>,
        tpu.vector_store %arg9[%swap3A_36], %sub3A {strides = array<i32>} : memref<2048xi32, #tpu.memory_space<vmem>>, vector<16xi32>,
        %gt3A = arith.constant 0 : i32
        %gt3A_38 = vector.broadcast %gt3A : i32 to vector<16xi32>
        %gt3A_39 = arith.cmpi sgt, %get3A_26, %gt3A_38 : vector<16xi32>
        %jit3A = arith.constant 1.000000e+00 : f32
        %jit3A_40 = arith.constant 0.000000e+00 : f32
        %broadcast_in_dim3A_41 = vector.broadcast %jit3A : f32 to vector<16xf32>
        %broadcast_in_dim3A_42 = vector.broadcast %jit3A_40 : f32 to vector<16xf32>
        %select_n3A = arith.select %gt3A_39, %broadcast_in_dim3A_41, %broadcast_in_dim3A_42 : vector<16xi1>, vector<16xf32>
        %mul3A_43 = arith.constant 16 : i32
        %mul3A_44 = arith.muli %scan3A_22, %mul3A_43 : i32
        %swap3A_45 = arith.index_cast %mul3A_44 : i32 to index
        %swap3A_46 = tpu.vector_load %arg10[%swap3A_45] {strides = array<i32>} : memref<2048xf32, #tpu.memory_space<vmem>>, vector<16xf32>,
        tpu.vector_store %arg10[%swap3A_45], %select_n3A {strides = array<i32>} : memref<2048xf32, #tpu.memory_space<vmem>>, vector<16xf32>,
        %reduce_max3A = arith.constant true
        %reduce_max3A_47 = vector.broadcast %reduce_max3A : i1 to vector<16xi1>
        %reduce_max3A_48 = arith.constant -2147483648 : i32
        %reduce_max3A_49 = vector.broadcast %reduce_max3A_48 : i32 to vector<16xi32>
        %reduce_max3A_50 = arith.xori %add3A_30, %reduce_max3A_49 : vector<16xi32>
        %reduce_max3A_51 = tpu.scan <max>, %reduce_max3A_50 masked %reduce_max3A_47 : vector<16xi32>, vector<16xi1> -> vector<16xi32>
        %reduce_max3A_52 = arith.xori %reduce_max3A_51, %reduce_max3A_49 : vector<16xi32>
        %reduce_max3A_53 = vector.extract %reduce_max3A_52[15] : i32 from vector<16xi32>
        scf.yield %reduce_max3A_53 : i32
      }
      %scan3A_21 = arith.constant 128 : i32
      "tpu.region"() ({
        %run_scoped3A = tpu.sem_alloc : memref<!tpu.dma_semaphore, #tpu.memory_space<semaphore_mem>>
        %dma_start3A = arith.constant 0 : i32
        %dma_start3A_22 = tpu.memref_slice %arg3[%add3A, %dma_start3A] : memref<8x2048xi32, #tpu.memory_space<hbm>> -> memref<1x2048xi32, #tpu.memory_space<hbm>>
        %dma_start3A_23 = tpu.memref_squeeze %dma_start3A_22 : memref<1x2048xi32, #tpu.memory_space<hbm>> -> memref<2048xi32, #tpu.memory_space<hbm>>
        %dma_start3A_24 = arith.constant 0 : i32
        %dma_start3A_25 = tpu.memref_slice %arg3[%add3A, %dma_start3A_24] : memref<8x2048xi32, #tpu.memory_space<hbm>> -> memref<1x2048xi32, #tpu.memory_space<hbm>>
        %dma_start3A_26 = tpu.memref_squeeze %dma_start3A_25 : memref<1x2048xi32, #tpu.memory_space<hbm>> -> memref<2048xi32, #tpu.memory_space<hbm>>
        tpu.enqueue_dma source(%arg8 : memref<2048xi32, #tpu.memory_space<vmem>>) target(%dma_start3A_26 : memref<2048xi32, #tpu.memory_space<hbm>>) target_semaphore(%run_scoped3A : memref<!tpu.dma_semaphore, #tpu.memory_space<semaphore_mem>>)
        %dma_wait3A = arith.constant 0 : i32
        %dma_wait3A_27 = tpu.memref_slice %arg3[%add3A, %dma_wait3A] : memref<8x2048xi32, #tpu.memory_space<hbm>> -> memref<1x2048xi32, #tpu.memory_space<hbm>>
        %dma_wait3A_28 = tpu.memref_squeeze %dma_wait3A_27 : memref<1x2048xi32, #tpu.memory_space<hbm>> -> memref<2048xi32, #tpu.memory_space<hbm>>
        %dma_wait3A_29 = arith.constant 0 : i32
        %dma_wait3A_30 = tpu.memref_slice %arg3[%add3A, %dma_wait3A_29] : memref<8x2048xi32, #tpu.memory_space<hbm>> -> memref<1x2048xi32, #tpu.memory_space<hbm>>
        %dma_wait3A_31 = tpu.memref_squeeze %dma_wait3A_30 : memref<1x2048xi32, #tpu.memory_space<hbm>> -> memref<2048xi32, #tpu.memory_space<hbm>>
        tpu.wait_dma2 semaphore(%run_scoped3A : memref<!tpu.dma_semaphore, #tpu.memory_space<semaphore_mem>>) src(%arg8 : memref<2048xi32, #tpu.memory_space<vmem>>) dst(%dma_wait3A_31 : memref<2048xi32, #tpu.memory_space<hbm>>)
        tpu.yield
      }) : () -> ()
      "tpu.region"() ({
        %run_scoped3A = tpu.sem_alloc : memref<!tpu.dma_semaphore, #tpu.memory_space<semaphore_mem>>
        %dma_start3A = arith.constant 0 : i32
        %dma_start3A_22 = tpu.memref_slice %arg4[%add3A, %dma_start3A] : memref<8x2048xi32, #tpu.memory_space<hbm>> -> memref<1x2048xi32, #tpu.memory_space<hbm>>
        %dma_start3A_23 = tpu.memref_squeeze %dma_start3A_22 : memref<1x2048xi32, #tpu.memory_space<hbm>> -> memref<2048xi32, #tpu.memory_space<hbm>>
        %dma_start3A_24 = arith.constant 0 : i32
        %dma_start3A_25 = tpu.memref_slice %arg4[%add3A, %dma_start3A_24] : memref<8x2048xi32, #tpu.memory_space<hbm>> -> memref<1x2048xi32, #tpu.memory_space<hbm>>
        %dma_start3A_26 = tpu.memref_squeeze %dma_start3A_25 : memref<1x2048xi32, #tpu.memory_space<hbm>> -> memref<2048xi32, #tpu.memory_space<hbm>>
        tpu.enqueue_dma source(%arg9 : memref<2048xi32, #tpu.memory_space<vmem>>) target(%dma_start3A_26 : memref<2048xi32, #tpu.memory_space<hbm>>) target_semaphore(%run_scoped3A : memref<!tpu.dma_semaphore, #tpu.memory_space<semaphore_mem>>)
        %dma_wait3A = arith.constant 0 : i32
        %dma_wait3A_27 = tpu.memref_slice %arg4[%add3A, %dma_wait3A] : memref<8x2048xi32, #tpu.memory_space<hbm>> -> memref<1x2048xi32, #tpu.memory_space<hbm>>
        %dma_wait3A_28 = tpu.memref_squeeze %dma_wait3A_27 : memref<1x2048xi32, #tpu.memory_space<hbm>> -> memref<2048xi32, #tpu.memory_space<hbm>>
        %dma_wait3A_29 = arith.constant 0 : i32
        %dma_wait3A_30 = tpu.memref_slice %arg4[%add3A, %dma_wait3A_29] : memref<8x2048xi32, #tpu.memory_space<hbm>> -> memref<1x2048xi32, #tpu.memory_space<hbm>>
        %dma_wait3A_31 = tpu.memref_squeeze %dma_wait3A_30 : memref<1x2048xi32, #tpu.memory_space<hbm>> -> memref<2048xi32, #tpu.memory_space<hbm>>
        tpu.wait_dma2 semaphore(%run_scoped3A : memref<!tpu.dma_semaphore, #tpu.memory_space<semaphore_mem>>) src(%arg9 : memref<2048xi32, #tpu.memory_space<vmem>>) dst(%dma_wait3A_31 : memref<2048xi32, #tpu.memory_space<hbm>>)
        tpu.yield
      }) : () -> ()
      "tpu.region"() ({
        %run_scoped3A = tpu.sem_alloc : memref<!tpu.dma_semaphore, #tpu.memory_space<semaphore_mem>>
        %dma_start3A = arith.constant 0 : i32
        %dma_start3A_22 = tpu.memref_slice %arg5[%add3A, %dma_start3A] : memref<8x2048xf32, #tpu.memory_space<hbm>> -> memref<1x2048xf32, #tpu.memory_space<hbm>>
        %dma_start3A_23 = tpu.memref_squeeze %dma_start3A_22 : memref<1x2048xf32, #tpu.memory_space<hbm>> -> memref<2048xf32, #tpu.memory_space<hbm>>
        %dma_start3A_24 = arith.constant 0 : i32
        %dma_start3A_25 = tpu.memref_slice %arg5[%add3A, %dma_start3A_24] : memref<8x2048xf32, #tpu.memory_space<hbm>> -> memref<1x2048xf32, #tpu.memory_space<hbm>>
        %dma_start3A_26 = tpu.memref_squeeze %dma_start3A_25 : memref<1x2048xf32, #tpu.memory_space<hbm>> -> memref<2048xf32, #tpu.memory_space<hbm>>
        tpu.enqueue_dma source(%arg10 : memref<2048xf32, #tpu.memory_space<vmem>>) target(%dma_start3A_26 : memref<2048xf32, #tpu.memory_space<hbm>>) target_semaphore(%run_scoped3A : memref<!tpu.dma_semaphore, #tpu.memory_space<semaphore_mem>>)
        %dma_wait3A = arith.constant 0 : i32
        %dma_wait3A_27 = tpu.memref_slice %arg5[%add3A, %dma_wait3A] : memref<8x2048xf32, #tpu.memory_space<hbm>> -> memref<1x2048xf32, #tpu.memory_space<hbm>>
        %dma_wait3A_28 = tpu.memref_squeeze %dma_wait3A_27 : memref<1x2048xf32, #tpu.memory_space<hbm>> -> memref<2048xf32, #tpu.memory_space<hbm>>
        %dma_wait3A_29 = arith.constant 0 : i32
        %dma_wait3A_30 = tpu.memref_slice %arg5[%add3A, %dma_wait3A_29] : memref<8x2048xf32, #tpu.memory_space<hbm>> -> memref<1x2048xf32, #tpu.memory_space<hbm>>
        %dma_wait3A_31 = tpu.memref_squeeze %dma_wait3A_30 : memref<1x2048xf32, #tpu.memory_space<hbm>> -> memref<2048xf32, #tpu.memory_space<hbm>>
        tpu.wait_dma2 semaphore(%run_scoped3A : memref<!tpu.dma_semaphore, #tpu.memory_space<semaphore_mem>>) src(%arg10 : memref<2048xf32, #tpu.memory_space<vmem>>) dst(%dma_wait3A_31 : memref<2048xf32, #tpu.memory_space<hbm>>)
        tpu.yield
      }) : () -> ()
    } else {
    }
    return
  }
}

module attributes {stable_mosaic.version = 14 : i64} {
  func.func @_stats_kernel(%arg0: i32, %arg1: i32, %arg2: memref<1x256x2048xf32, #tpu.memory_space<vmem>>, %arg3: memref<8x2048xf32, #tpu.memory_space<vmem>>, %arg4: memref<256x8xf32, #tpu.memory_space<vmem>>, %arg5: memref<256x2048xf32, #tpu.memory_space<vmem>>, %arg6: memref<256x2048xf32, #tpu.memory_space<vmem>>, %arg7: memref<256x2048xf32, #tpu.memory_space<vmem>>, %arg8: memref<256x2048xf32, #tpu.memory_space<vmem>>, %arg9: memref<256x2048xf32, #tpu.memory_space<vmem>>) attributes {dimension_semantics = [#tpu.dimension_semantics<parallel>, #tpu.dimension_semantics<arbitrary>], iteration_bounds = array<i64: 8, 8>, scalar_prefetch = 0 : i64, scratch_operands = 4 : i64, tpu.core_type = #tpu.core_type<tc>, window_params = [{transform_indices = @transform_0, window_bounds = array<i64: 1, 256, 2048>}, {pipeline_mode = #tpu.pipeline_mode<synchronous>, transform_indices = @transform_1, window_bounds = array<i64: 8, 2048>}, {transform_indices = @transform_2, window_bounds = array<i64: 256, 8>}, {transform_indices = @transform_3, window_bounds = array<i64: 256, 2048>}]} {
    %get3A = arith.constant 0 : index
    %get3A_0 = arith.constant 0 : index
    %get3A_1 = arith.constant 0 : index
    %get3A_2 = vector.load %arg2[%get3A, %get3A_0, %get3A_1] : memref<1x256x2048xf32, #tpu.memory_space<vmem>>, vector<1x256x2048xf32>
    %get3A_3 = vector.shape_cast %get3A_2 : vector<1x256x2048xf32> to vector<256x2048xf32>
    %iota3A = tpu.iota {dimensions = array<i32: 1>} : vector<1x8xi32>
    %eq3A = vector.broadcast %arg1 : i32 to vector<1x8xi32>
    %eq3A_4 = arith.cmpi eq, %iota3A, %eq3A : vector<1x8xi32>
    %convert_element_type3A = arith.extui %eq3A_4 : vector<1x8xi1> to vector<1x8xi32>
    %convert_element_type3A_5 = arith.sitofp %convert_element_type3A : vector<1x8xi32> to vector<1x8xf32>
    %iota3A_6 = tpu.iota {dimensions = array<i32: 0>} : vector<8x1xi32>
    %eq3A_7 = vector.broadcast %arg1 : i32 to vector<8x1xi32>
    %eq3A_8 = arith.cmpi eq, %iota3A_6, %eq3A_7 : vector<8x1xi32>
    %convert_element_type3A_9 = arith.extui %eq3A_8 : vector<8x1xi1> to vector<8x1xi32>
    %convert_element_type3A_10 = arith.sitofp %convert_element_type3A_9 : vector<8x1xi32> to vector<8x1xf32>
    %get3A_11 = arith.constant 0 : index
    %get3A_12 = arith.constant 0 : index
    %get3A_13 = vector.load %arg4[%get3A_11, %get3A_12] : memref<256x8xf32, #tpu.memory_space<vmem>>, vector<256x8xf32>
    %mul3A = vector.broadcast %convert_element_type3A_5 : vector<1x8xf32> to vector<256x8xf32>
    %mul3A_14 = arith.mulf %get3A_13, %mul3A : vector<256x8xf32>
    %reduce_sum3A = arith.constant dense<0.000000e+00> : vector<256xf32>
    %reduce_sum3A_15 = vector.multi_reduction <add>, %mul3A_14, %reduce_sum3A [1] : vector<256x8xf32> to vector<256xf32>
    %broadcast_in_dim3A = vector.shape_cast %reduce_sum3A_15 : vector<256xf32> to vector<256x1xf32>
    %get3A_16 = arith.constant 0 : index
    %get3A_17 = arith.constant 0 : index
    %get3A_18 = vector.load %arg3[%get3A_16, %get3A_17] : memref<8x2048xf32, #tpu.memory_space<vmem>>, vector<8x2048xf32>
    %mul3A_19 = vector.broadcast %convert_element_type3A_10 : vector<8x1xf32> to vector<8x2048xf32>
    %mul3A_20 = arith.mulf %get3A_18, %mul3A_19 : vector<8x2048xf32>
    %reduce_sum3A_21 = arith.constant dense<0.000000e+00> : vector<2048xf32>
    %reduce_sum3A_22 = vector.multi_reduction <add>, %mul3A_20, %reduce_sum3A_21 [0] : vector<8x2048xf32> to vector<2048xf32>
    %broadcast_in_dim3A_23 = vector.shape_cast %reduce_sum3A_22 : vector<2048xf32> to vector<1x2048xf32>
    %mul3A_24 = vector.broadcast %broadcast_in_dim3A : vector<256x1xf32> to vector<256x2048xf32>
    %mul3A_25 = vector.broadcast %broadcast_in_dim3A_23 : vector<1x2048xf32> to vector<256x2048xf32>
    %mul3A_26 = arith.mulf %mul3A_24, %mul3A_25 : vector<256x2048xf32>
    %mul3A_27 = arith.mulf %get3A_3, %mul3A_26 : vector<256x2048xf32>
    %gt3A = arith.constant 5.000000e-01 : f32
    %gt3A_28 = vector.broadcast %gt3A : f32 to vector<256x2048xf32>
    %gt3A_29 = arith.cmpf ogt, %get3A_3, %gt3A_28 : vector<256x2048xf32>
    %jit3A = arith.constant 0.000000e+00 : f32
    %broadcast_in_dim3A_30 = vector.broadcast %jit3A : f32 to vector<256x2048xf32>
    %select_n3A = arith.select %gt3A_29, %mul3A_26, %broadcast_in_dim3A_30 : vector<256x2048xi1>, vector<256x2048xf32>
    %eq3A_31 = arith.constant 0 : i32
    %eq3A_32 = arith.cmpi eq, %arg1, %eq3A_31 : i32
    %convert_element_type3A_33 = arith.extui %eq3A_32 : i1 to i32
    %cond3A = arith.constant 0 : i32
    %cond3A_34 = arith.cmpi ne, %convert_element_type3A_33, %cond3A : i32
    scf.if %cond3A_34 {
      %swap3A = arith.constant 0 : index
      %swap3A_45 = arith.constant 0 : index
      %swap3A_46 = vector.load %arg6[%swap3A, %swap3A_45] : memref<256x2048xf32, #tpu.memory_space<vmem>>, vector<256x2048xf32>
      tpu.vector_store %arg6[%swap3A, %swap3A_45], %mul3A_26 {strides = array<i32>} : memref<256x2048xf32, #tpu.memory_space<vmem>>, vector<256x2048xf32>,
      %swap3A_47 = arith.constant 0 : index
      %swap3A_48 = arith.constant 0 : index
      %swap3A_49 = vector.load %arg7[%swap3A_47, %swap3A_48] : memref<256x2048xf32, #tpu.memory_space<vmem>>, vector<256x2048xf32>
      tpu.vector_store %arg7[%swap3A_47, %swap3A_48], %mul3A_27 {strides = array<i32>} : memref<256x2048xf32, #tpu.memory_space<vmem>>, vector<256x2048xf32>,
      %mul3A_50 = arith.mulf %mul3A_27, %get3A_3 : vector<256x2048xf32>
      %swap3A_51 = arith.constant 0 : index
      %swap3A_52 = arith.constant 0 : index
      %swap3A_53 = vector.load %arg8[%swap3A_51, %swap3A_52] : memref<256x2048xf32, #tpu.memory_space<vmem>>, vector<256x2048xf32>
      tpu.vector_store %arg8[%swap3A_51, %swap3A_52], %mul3A_50 {strides = array<i32>} : memref<256x2048xf32, #tpu.memory_space<vmem>>, vector<256x2048xf32>,
      %swap3A_54 = arith.constant 0 : index
      %swap3A_55 = arith.constant 0 : index
      %swap3A_56 = vector.load %arg9[%swap3A_54, %swap3A_55] : memref<256x2048xf32, #tpu.memory_space<vmem>>, vector<256x2048xf32>
      tpu.vector_store %arg9[%swap3A_54, %swap3A_55], %select_n3A {strides = array<i32>} : memref<256x2048xf32, #tpu.memory_space<vmem>>, vector<256x2048xf32>,
    } else {
    }
    %gt3A_35 = arith.constant 0 : i32
    %gt3A_36 = arith.cmpi sgt, %arg1, %gt3A_35 : i32
    %convert_element_type3A_37 = arith.extui %gt3A_36 : i1 to i32
    %cond3A_38 = arith.constant 0 : i32
    %cond3A_39 = arith.cmpi ne, %convert_element_type3A_37, %cond3A_38 : i32
    scf.if %cond3A_39 {
      %get3A_45 = arith.constant 0 : index
      %get3A_46 = arith.constant 0 : index
      %get3A_47 = vector.load %arg6[%get3A_45, %get3A_46] : memref<256x2048xf32, #tpu.memory_space<vmem>>, vector<256x2048xf32>
      %add3A = arith.addf %get3A_47, %mul3A_26 : vector<256x2048xf32>
      %swap3A = arith.constant 0 : index
      %swap3A_48 = arith.constant 0 : index
      %swap3A_49 = vector.load %arg6[%swap3A, %swap3A_48] : memref<256x2048xf32, #tpu.memory_space<vmem>>, vector<256x2048xf32>
      tpu.vector_store %arg6[%swap3A, %swap3A_48], %add3A {strides = array<i32>} : memref<256x2048xf32, #tpu.memory_space<vmem>>, vector<256x2048xf32>,
      %get3A_50 = arith.constant 0 : index
      %get3A_51 = arith.constant 0 : index
      %get3A_52 = vector.load %arg7[%get3A_50, %get3A_51] : memref<256x2048xf32, #tpu.memory_space<vmem>>, vector<256x2048xf32>
      %add3A_53 = arith.addf %get3A_52, %mul3A_27 : vector<256x2048xf32>
      %swap3A_54 = arith.constant 0 : index
      %swap3A_55 = arith.constant 0 : index
      %swap3A_56 = vector.load %arg7[%swap3A_54, %swap3A_55] : memref<256x2048xf32, #tpu.memory_space<vmem>>, vector<256x2048xf32>
      tpu.vector_store %arg7[%swap3A_54, %swap3A_55], %add3A_53 {strides = array<i32>} : memref<256x2048xf32, #tpu.memory_space<vmem>>, vector<256x2048xf32>,
      %get3A_57 = arith.constant 0 : index
      %get3A_58 = arith.constant 0 : index
      %get3A_59 = vector.load %arg8[%get3A_57, %get3A_58] : memref<256x2048xf32, #tpu.memory_space<vmem>>, vector<256x2048xf32>
      %mul3A_60 = arith.mulf %mul3A_27, %get3A_3 : vector<256x2048xf32>
      %add3A_61 = arith.addf %get3A_59, %mul3A_60 : vector<256x2048xf32>
      %swap3A_62 = arith.constant 0 : index
      %swap3A_63 = arith.constant 0 : index
      %swap3A_64 = vector.load %arg8[%swap3A_62, %swap3A_63] : memref<256x2048xf32, #tpu.memory_space<vmem>>, vector<256x2048xf32>
      tpu.vector_store %arg8[%swap3A_62, %swap3A_63], %add3A_61 {strides = array<i32>} : memref<256x2048xf32, #tpu.memory_space<vmem>>, vector<256x2048xf32>,
      %get3A_65 = arith.constant 0 : index
      %get3A_66 = arith.constant 0 : index
      %get3A_67 = vector.load %arg9[%get3A_65, %get3A_66] : memref<256x2048xf32, #tpu.memory_space<vmem>>, vector<256x2048xf32>
      %add3A_68 = arith.addf %get3A_67, %select_n3A : vector<256x2048xf32>
      %swap3A_69 = arith.constant 0 : index
      %swap3A_70 = arith.constant 0 : index
      %swap3A_71 = vector.load %arg9[%swap3A_69, %swap3A_70] : memref<256x2048xf32, #tpu.memory_space<vmem>>, vector<256x2048xf32>
      tpu.vector_store %arg9[%swap3A_69, %swap3A_70], %add3A_68 {strides = array<i32>} : memref<256x2048xf32, #tpu.memory_space<vmem>>, vector<256x2048xf32>,
    } else {
    }
    %eq3A_40 = arith.constant 7 : i32
    %eq3A_41 = arith.cmpi eq, %arg1, %eq3A_40 : i32
    %convert_element_type3A_42 = arith.extui %eq3A_41 : i1 to i32
    %cond3A_43 = arith.constant 0 : i32
    %cond3A_44 = arith.cmpi ne, %convert_element_type3A_42, %cond3A_43 : i32
    scf.if %cond3A_44 {
      %get3A_45 = arith.constant 0 : index
      %get3A_46 = arith.constant 0 : index
      %get3A_47 = vector.load %arg6[%get3A_45, %get3A_46] : memref<256x2048xf32, #tpu.memory_space<vmem>>, vector<256x2048xf32>
      %max3A = arith.constant 9.99999974E-6 : f32
      %max3A_48 = vector.broadcast %max3A : f32 to vector<256x2048xf32>
      %max3A_49 = arith.maximumf %get3A_47, %max3A_48 : vector<256x2048xf32>
      %get3A_50 = arith.constant 0 : index
      %get3A_51 = arith.constant 0 : index
      %get3A_52 = vector.load %arg7[%get3A_50, %get3A_51] : memref<256x2048xf32, #tpu.memory_space<vmem>>, vector<256x2048xf32>
      %div3A = arith.divf %get3A_52, %max3A_49 : vector<256x2048xf32>
      %get3A_53 = arith.constant 0 : index
      %get3A_54 = arith.constant 0 : index
      %get3A_55 = vector.load %arg8[%get3A_53, %get3A_54] : memref<256x2048xf32, #tpu.memory_space<vmem>>, vector<256x2048xf32>
      %div3A_56 = arith.divf %get3A_55, %max3A_49 : vector<256x2048xf32>
      %mul3A_57 = arith.mulf %div3A, %div3A : vector<256x2048xf32>
      %sub3A = arith.subf %div3A_56, %mul3A_57 : vector<256x2048xf32>
      %get3A_58 = arith.constant 0 : index
      %get3A_59 = arith.constant 0 : index
      %get3A_60 = vector.load %arg9[%get3A_58, %get3A_59] : memref<256x2048xf32, #tpu.memory_space<vmem>>, vector<256x2048xf32>
      %div3A_61 = arith.divf %get3A_60, %max3A_49 : vector<256x2048xf32>
      %mul3A_62 = arith.constant -1.000000e+00 : f32
      %mul3A_63 = vector.broadcast %mul3A_62 : f32 to vector<256x2048xf32>
      %mul3A_64 = arith.mulf %mul3A_63, %sub3A : vector<256x2048xf32>
      %exp3A = math.exp %mul3A_64 : vector<256x2048xf32>
      %mul3A_65 = arith.mulf %div3A_61, %exp3A : vector<256x2048xf32>
      %gt3A_66 = arith.constant 5.000000e-01 : f32
      %gt3A_67 = vector.broadcast %gt3A_66 : f32 to vector<256x2048xf32>
      %gt3A_68 = arith.cmpf ogt, %mul3A_65, %gt3A_67 : vector<256x2048xf32>
      %gt3A_69 = arith.constant 9.99999974E-6 : f32
      %gt3A_70 = vector.broadcast %gt3A_69 : f32 to vector<256x2048xf32>
      %gt3A_71 = arith.cmpf ogt, %get3A_47, %gt3A_70 : vector<256x2048xf32>
      %and3A = arith.andi %gt3A_68, %gt3A_71 : vector<256x2048xi1>
      %jit3A_72 = arith.constant 0.000000e+00 : f32
      %broadcast_in_dim3A_73 = vector.broadcast %jit3A_72 : f32 to vector<256x2048xf32>
      %select_n3A_74 = arith.select %and3A, %div3A, %broadcast_in_dim3A_73 : vector<256x2048xi1>, vector<256x2048xf32>
      %swap3A = arith.constant 0 : index
      %swap3A_75 = arith.constant 0 : index
      %swap3A_76 = vector.load %arg5[%swap3A, %swap3A_75] : memref<256x2048xf32, #tpu.memory_space<vmem>>, vector<256x2048xf32>
      tpu.vector_store %arg5[%swap3A, %swap3A_75], %select_n3A_74 {strides = array<i32>} : memref<256x2048xf32, #tpu.memory_space<vmem>>, vector<256x2048xf32>,
    } else {
    }
    return
  }
  func.func @transform_0(%arg0: i32, %arg1: i32) -> (i32, i32, i32) {
    %c0_i32 = arith.constant 0 : i32
    %c0_i32_0 = arith.constant 0 : i32
    return %arg1, %arg0, %c0_i32 : i32, i32, i32
  }
  func.func @transform_1(%arg0: i32, %arg1: i32) -> (i32, i32) {
    %c0_i32 = arith.constant 0 : i32
    %c0_i32_0 = arith.constant 0 : i32
    %c0_i32_1 = arith.constant 0 : i32
    return %c0_i32, %c0_i32_0 : i32, i32
  }
  func.func @transform_2(%arg0: i32, %arg1: i32) -> (i32, i32) {
    %c0_i32 = arith.constant 0 : i32
    %c0_i32_0 = arith.constant 0 : i32
    return %arg0, %c0_i32 : i32, i32
  }
  func.func @transform_3(%arg0: i32, %arg1: i32) -> (i32, i32) {
    %c0_i32 = arith.constant 0 : i32
    %c0_i32_0 = arith.constant 0 : i32
    return %arg0, %c0_i32 : i32, i32
  }
}

</mosaic_0001>

<sc_bundles>
// kernel: kernel.5.cloned.1.call-start
scs
__scs_entry_jumppad:
0x0: {  	(pc) =	sbr.rel $0x88, $3  }
0x1: {  	(tag) =	ssettag $0x0;
	lr =	simm.s32 $0x1  }
0x2: {  	[smem:$0x3F9F] =	sst lr;
	_ =	strace $0xD0000000  }
0x3: {  	_ = 	snop  }
0x4: {  	_ = 	snop  }
0x5: {  	_ = 	snop  }
0x6: {  	_ = 	snop  }
0x7: {  	_ = 	snop  }
__scs_overlays_trampoline_lowered:
0x8: {  	[smem:$0x3FAE] =	sst s0  }
0x9: {  	[smem:$0x3FAF] =	sst s1  }
0xa: {  	[smem:$0x3FB0] =	sst s2  }
0xb: {  	[smem:$0x3FB1] =	sst s3  }
0xc: {  	[smem:$0x3FB2] =	sst s4  }
0xd: {  	[smem:$0x3FB3] =	sst s5  }
0xe: {  	[smem:$0x3FB4] =	sst s6  }
0xf: {  	[smem:$0x3FB5] =	sst s7  }
0x10: {  	[smem:$0x3FB6] =	sst s8  }
0x11: {  	[smem:$0x3FB7] =	sst s9;
	s0 =	simm.s32 @!p0 $0x0  }
0x12: {  	s1 =	sld [smem:$0x3F9D];
	s0 =	simm.s32 @p0 $0x1  }
0x13: {  	[smem:$0x3FB8] =	sst s0;
	s0 =	simm.s32 @!p1 $0x0  }
0x14: {  	s2 =	sld [smem:$0x3F9C];
	s0 =	simm.s32 @p1 $0x1  }
0x15: {  	[smem:$0x3FB9] =	sst s0;
	s0 =	simm.s32 @!p2 $0x0  }
0x16: {  	s3 =	sld [smem:$0x3FDB];
	s0 =	simm.s32 @p2 $0x1  }
0x17: {  	s4 =	simm.s32 $0x1BF5;
	[smem:$0x3FBB] =	sst s0  }
0x18: {  	s0 =	sld [smem:$0x3F9E];
	_ =	swait.ge [sflag:s4], $0x0  }
0x19: {  	s7 =	sld [smem:$0x3F9F]  }
0x1a: {  	s8 =	sadd.s32 $0xFFFFE003, lr  }
0x1b: {  	s9 =	sadd.s32 $0xFFFFFEF7, lr;
	s5 =	simm.s32 $0xFFFFFFFF;
	p2 =	slt.u32 s8, $0xFFFFF086  }
0x1c: {  	p1 =	slt.u32 s9, $0xF7A;
	s5 =	simm.s32 @!p2 $0x0  }
0x1d: {  	s5 =	simm.s32 @p1 $0x1;
	p0 =	seq.s32 s7, s2  }
0x1e: {  	s7 =	smul.u32 @!p0 $0xF7A, s2;
	p2 =	seq.s32 @!p0 s5, $0x0  }
0x1f: {  	s9 =	smul.u32 $0xF7A, s1;
	s8 =	simm.s32 @!p0 $0x1BF5;
	p2 =	por !p2, p0  }
0x20: {  	[sflag:s8] =	ssyncset.s32 @!p0 $0xFFFFF086;
	s6 =	sadd.s32 @!p0 s3, s7;
	s7 =	simm.s32 @!p0 $0x108  }
0x21: {  	s3 =	sadd.s32 s3, s9;
	s6 =	sadd.s32 @!p0 $0x88, s6;
	s7 =	simm.s32 @p2 $0x1082  }
0x22: {  	[simem:s7], [sflag:s8] =	dma.local @!p0 [hbm:s6], $0xF7A  }
0x23: {  	s9 =	sor.u32 $0xD0000000, s2;
	s6 =	simm.s32 $0x108;
	_ =	swait.ge @!p0 [sflag:s8], $0x0  }
0x24: {  	s3 =	sadd.s32 $0x88, s3;
	s6 =	simm.s32 @!p1 $0x1082;
	[sflag:s4] =	ssyncset.s32 $0xFFFFF086  }
0x25: {  	[simem:s6], [sflag:s4] =	dma.local [hbm:s3], $0xF7A  }
0x26: {  	[smem:$0x3F9F] =	sst s1;
	(tag) =	ssettag s2;
	_ =	strace s9  }
0x27: {  	s1 =	sld [smem:$0x3FAF]  }
0x28: {  	s2 =	sld [smem:$0x3FB0]  }
0x29: {  	s4 =	sld [smem:$0x3FB2]  }
0x2a: {  	p0 =	seq.s32 s5, $0x0;
	s5 =	sld [smem:$0x3FB3]  }
0x2b: {  	s6 =	sld [smem:$0x3FB4]  }
0x2c: {  	s7 =	sld [smem:$0x3FB5]  }
0x2d: {  	s3 =	simm.s32 $0x108;
	s8 =	sld [smem:$0x3FB6]  }
0x2e: {  	s3 =	simm.s32 @!p0 $0x1082;
	s9 =	sld [smem:$0x3FB7]  }
0x2f: {  	lr =	sadd.s32 s0, s3;
	s0 =	sld [smem:$0x3FAE]  }
0x30: {  	s3 =	sld [smem:$0x3FB1]  }
0x31: {  	[smem:$0x3FBA] =	sst s10  }
0x32: {  	s10 =	sld [smem:$0x3FB8];
	_ =	sdelay $0x3  }
0x33: {  	p0 =	seq.s32 s10, $0x1;
	s10 =	sld [smem:$0x3FBA];
	_ =	sdelay $0x3  }
0x34: {  	[smem:$0x3FBA] =	sst s10  }
0x35: {  	s10 =	sld [smem:$0x3FB9];
	_ =	sdelay $0x3  }
0x36: {  	p1 =	seq.s32 s10, $0x1;
	s10 =	sld [smem:$0x3FBA];
	_ =	sdelay $0x3  }
0x37: {  	[smem:$0x3FBA] =	sst s10  }
0x38: {  	s10 =	sld [smem:$0x3FBB]  }
0x39: {  	_ = 	snop;
	(pc) =	sbr.ind lr, $3  }
0x3a: {  	_ = 	snop  }
0x3b: {  	_ = 	snop  }
0x3c: {  	p2 =	seq.s32 s10, $0x1;
	s10 =	sld [smem:$0x3FBA]  }
0x3d: {  	_ =	shalt  }
0x3e: {  	_ =	shalt  }
0x3f: {  	_ =	shalt  }
0x40: {  	_ =	shalt  }
0x41: {  	_ =	shalt  }
0x42: {  	_ =	shalt  }
0x43: {  	_ =	shalt  }
0x44: {  	_ =	shalt  }
0x45: {  	_ =	shalt  }
0x46: {  	_ =	shalt  }
0x47: {  	_ =	shalt  }
0x48: {  	_ =	shalt  }
0x49: {  	_ =	shalt  }
0x4a: {  	_ =	shalt  }
0x4b: {  	_ =	shalt  }
0x4c: {  	_ =	shalt  }
0x4d: {  	_ =	shalt  }
0x4e: {  	_ =	shalt  }
0x4f: {  	_ =	shalt  }
0x50: {  	_ =	shalt  }
0x51: {  	_ =	shalt  }
0x52: {  	_ =	shalt  }
0x53: {  	_ =	shalt  }
0x54: {  	_ =	shalt  }
0x55: {  	_ =	shalt  }
0x56: {  	_ =	shalt  }
0x57: {  	_ =	shalt  }
0x58: {  	_ =	shalt  }
0x59: {  	_ =	shalt  }
0x5a: {  	_ =	shalt  }
0x5b: {  	_ =	shalt  }
0x5c: {  	_ =	shalt  }
0x5d: {  	_ =	shalt  }
0x5e: {  	_ =	shalt  }
0x5f: {  	_ =	shalt  }
0x60: {  	_ =	shalt  }
0x61: {  	_ =	shalt  }
0x62: {  	_ =	shalt  }
0x63: {  	_ =	shalt  }
0x64: {  	_ =	shalt  }
0x65: {  	_ =	shalt  }
0x66: {  	_ =	shalt  }
0x67: {  	_ =	shalt  }
0x68: {  	_ =	shalt  }
0x69: {  	_ =	shalt  }
0x6a: {  	_ =	shalt  }
0x6b: {  	_ =	shalt  }
0x6c: {  	_ =	shalt  }
0x6d: {  	_ =	shalt  }
0x6e: {  	_ =	shalt  }
0x6f: {  	_ =	shalt  }
0x70: {  	_ =	shalt  }
0x71: {  	_ =	shalt  }
0x72: {  	_ =	shalt  }
0x73: {  	_ =	shalt  }
0x74: {  	_ =	shalt  }
0x75: {  	_ =	shalt  }
0x76: {  	_ =	shalt  }
0x77: {  	_ =	shalt  }
0x78: {  	_ =	shalt  }
0x79: {  	_ =	shalt  }
0x7a: {  	_ =	shalt  }
0x7b: {  	_ =	shalt  }
0x7c: {  	_ =	shalt  }
0x7d: {  	_ =	shalt  }
0x7e: {  	_ =	shalt  }
0x7f: {  	_ =	shalt  }
0x80: {  	_ =	shalt  }
0x81: {  	_ =	shalt  }
0x82: {  	_ =	shalt  }
0x83: {  	_ =	shalt  }
0x84: {  	_ =	shalt  }
0x85: {  	_ =	shalt  }
0x86: {  	_ =	shalt  }
0x87: {  	_ =	shalt  }
.Lfunc_end0:
.L_simem_size_0:
called_computation.2_lowered:
.L_overlay_start_0:
0x88: {  	s2 =	sld [smem:$0x3FD9]  }
0x89: {  	s3 =	sld [smem:$0x3FFE];
	_ =	sdelay $0x1  }
0x8a: {  	s1 =	srdreg.scid  }
0x8b: {  	s0 =	sand.u32 $0x1, s1  }
0x8c: {  	s17 =	sshll.u32 s0, $0xA;
	s2 =	sadd.s32 s3, s2  }
0x8d: {  	s2 =	sadd.s32 s2, s17  }
0x8e: {  	[smem:$0x3FC6] =	sst s2  }
0x8f: {  	_ = 	snop  }
0x90: {  	s18 =	sld [smem:$0x3FC8]  }
0x91: {  	s4 =	sld [smem:$0x3FD0];
	(tm) =	ssettm $0x1  }
0x92: {  	s19 =	sld [smem:$0x3FFB];
	_ =	sdelay $0x3  }
0x93: {  	_ =	strace s19  }
0x94: {  	s2 =	sld [smem:$0x3FFC];
	_ =	sdelay $0x3  }
0x95: {  	_ =	strace s2  }
0x96: {  	s2 =	sld [smem:$0x3FFD];
	_ =	sdelay $0x3  }
0x97: {  	_ =	strace s2  }
0x98: {  	_ =	strace $0x8FFFFFFF  }
0x99: {  	s20 =	sld [smem:$0x3FDB];
	_ =	sdelay $0x1  }
0x9a: {  	s5 =	simm.s32 $_scs_section_size  }
0x9b: {  	s6 =	simm.s32 $_size__tile_overlayer_lowered;
	s7 =	simm.s32 $_tile_overlayer_lowered  }
0x9c: {  	s8 =	simm.s32 $0x1BFF;
	s21 =	sshll.u32 s7, $0x1;
	s5 =	sadd.s32 s5, s20  }
0x9d: {  	s22 =	simm.s32 $0x0;
	s6 =	sshll.u32 s6, $0x1;
	s7 =	sadd.s32 s21, s5  }
0x9e: {  	[timem:s22], [sflag:s8] =	dma.local [hbm:s7], s6  }
0x9f: {  	_ =	swait.ge [sflag:s8], s6  }
0xa0: {  	s6 =	ssub.s32 $0x0, s6;
	[sflag:s8] =	ssyncset.done $0x0  }
0xa1: {  	[sflag:s8] =	ssyncadd.s32 s6;
	_ =	sdelay $0x1  }
0xa2: {  	s23 =	simm.s32 $0x1B8B  }
0xa3: {  	_ =	swait.ge [sflag:s23], $0x1  }
0xa4: {  	[sflag:s23] =	ssyncset.done $0x0  }
0xa5: {  	[sflag:s23] =	ssyncadd.s32 $0xFFFFFFFF  }
0xa6: {  	s6 =	sld [smem:$0x0]  }
0xa7: {  	s7 =	sand.u32 $0xFFFFFFFE, s1  }
0xa8: {  	p0 =	sne.s32 s1, s7  }
0xa9: {  	s7 =	sshll.u32 @p0 s7, $0xE  }
0xaa: {  	s7 =	sadd.s32 @p0 $0x11B8D, s7;
	s8 =	sshll.u32 @p0 s6, $0x11  }
0xab: {  	s7 =	sor.u32 @p0 s8, s7  }
0xac: {  	[sflag:s7] =	ssyncadd.remote.s32 @p0 $0x1;
	_ =	sdelay $0x1  }
0xad: {  	s7 =	simm.s32 @p0 $0x1B8D  }
0xae: {  	_ =	swait.eq @p0 [sflag:s7], $0x1  }
0xaf: {  	[sflag:s7] =	ssyncadd.s32 @p0 $0xFFFFFFFF  }
0xb0: {  	s8 =	sshll.u32 @!p0 s1, $0xE  }
0xb1: {  	s8 =	sor.u32 @!p0 $0x4000, s8;
	s7 =	simm.s32 @!p0 $0x1B8D  }
0xb2: {  	s6 =	sshll.u32 @!p0 s6, $0x11;
	s8 =	sadd.s32 @!p0 $0x11B8D, s8;
	_ =	swait.eq @!p0 [sflag:s7], $0x1  }
0xb3: {  	s6 =	sor.u32 @!p0 s6, s8;
	[sflag:s7] =	ssyncadd.s32 @!p0 $0xFFFFFFFF  }
0xb4: {  	s25 =	simm.s32 $0x1B8E;
	s24 =	sld [smem:$0x3FFE];
	[sflag:s6] =	ssyncadd.remote.s32 @!p0 $0x1  }
0xb5: {  	s26 =	simm.s32 $execute0_lowered;
	[smem:$0x3FD2] =	sst s25  }
0xb6: {  	s7 =	sshll.u32 s26, $0x1;
	_ =	strace $0x8000004C;
	[dreg:$0x1] =	wrdreg $0xFFFFFFFF  }
0xb7: {  	s28 =	simm.s32 $_size_execute0_lowered;
	s5 =	sadd.s32 s5, s7;
	[dreg:$0x0] =	wrdreg $0x0  }
0xb8: {  	s7 =	sshll.u32 s28, $0x1;
	[dreg:$0x2] =	wrdreg s5  }
0xb9: {  	[dreg:$0x3] =	wrdreg s7  }
0xba: {  	[dreg:$0x4] =	wrdreg $0xC0  }
0xbb: {  	_ =	task [dreg:s22], $0x5FFFF  }
0xbc: {  	[dreg:$0x1] =	wrdreg $0xFFFFFFFF  }
0xbd: {  	[dreg:$0x0] =	wrdreg $0x60  }
0xbe: {  	[dreg:$0x2] =	wrdreg s18  }
0xbf: {  	[dreg:$0x3] =	wrdreg s4  }
0xc0: {  	[dreg:$0x4] =	wrdreg s24  }
0xc1: {  	[dreg:$0x5] =	wrdreg $0xB  }
0xc2: {  	_ =	task.clear_ibuf [dreg:s22], $0x6FFFF;
	_ =	strace $0x9000004C  }
0xc3: {  	s29 =	simm.s32 $0xB;
	_ =	strace $0x8000004E  }
0xc4: {  	_ =	swait.ge [sflag:s29], $0x1  }
0xc5: {  	[sflag:s29] =	ssyncadd.s32 $0xFFFFFFFF  }
0xc6: {  	_ =	strace $0x9000004E  }
0xc7: {  	_ =	sfence  }
0xc8: {  	s30 =	sld [smem:$0x0];
	_ =	sdelay $0x2  }
0xc9: {  	s31 =	sshll.u32 s1, $0xD;
	s1 =	sshrl.u32 s1, $0x2  }
0xca: {  	s4 =	sand.u32 $0x4000, s31;
	s1 =	sadd.s32 s1, s30  }
0xcb: {  	s0 =	sor.u32 s4, s0;
	s1 =	sshll.u32 s1, $0x11  }
0xcc: {  	s0 =	sor.u32 s1, s0  }
0xcd: {  	s0 =	sadd.s32 $0x8F2B, s0  }
0xce: {  	[sflag:s0] =	ssyncadd.remote.s32 $0x1  }
0xcf: {  	_ =	sfence.sel $0xFFFF  }
0xd0: {  	[dreg:$0x0] =	wrdreg $0xFFFFFFFF;
	(pc) =	sbr.abs _section_cstart, $3  }
0xd1: {  	[dreg:$0x1] =	wrdreg $0xFFFFFFFF  }
0xd2: {  	_ =	task.clear_ibuf [dreg:s22], $0x2FFFF;
	_ =	strace $0x9FFFFFFF  }
0xd3: {  	(tm) =	ssettm $0x7FFFFFFF  }
tec
execute0_lowered:
.L_overlay_start_1:
0x0: {  	(tag) =	ssettag $0x1  }
0x1: {  	s1 =	stileid.u32  }
0x2: {  	p0 =	sgt.u32 s1, $0x3  }
.Ltmp0:
0x3: {  	s6 =	rddreg [dreg:$0x0];
	(pc) =	sbr.rel @p0 .LBB2_9-.Ltmp0, $4  }
0x4: {  	s3 =	rddreg [dreg:$0x1]  }
0x5: {  	s4 =	rddreg [dreg:$0x2];
	s2 =	simm.s32 $0x0  }
0x6: {  	[smem:$0x7FF] =	sst s2  }
0x7: {  	s0 =	rddreg [dreg:$0x3];
	_ =	strace $0x8000004D  }
0x8: {  	s5 =	srdreg.scid;
	s7 =	sshll.u32 s1, $0x5  }
0x9: {  	s10 =	simm.s32 $0x1;
	s11 =	simm.s32 $0xC00;
	s5 =	sand.u32 $0x1, s5  }
0xa: {  	s12 =	simm.s32 $0x1400;
	s8 =	sshll.u32 s5, $0x4;
	s5 =	ssub.s32 $0x2, s5  }
0xb: {  	s13 =	simm.s32 $0x1C00;
	s7 =	sor.u32 s8, s7;
	s9 =	sshrl.u32 s5, $0x1  }
0xc: {  	s8 =	sadd.s32 s7, s4;
	s3 =	sadd.s32 s3, s7;
	s9 =	ssub.s32 s5, s9  }
0xd: {  	s6 =	sadd.s32 s6, s7;
	s4 =	sadd.s32 $0x301800, s8;
	s5 =	sadd.s32 $0x301000, s8  }
0xe: {  	v0 =	vimm.s32 $0x0;
	v1 =	vimm.s32 $0x1;
	v2 =	vimm.f32 $0.0e+00;
	s7 =	smax.u32 s9, $0x1;
	s8 =	simm.s32 $0x80;
	s9 =	simm.s32 $0x400  }
.LBB2_2:
0xf: {  	s14 =	simm.s32 $0x0  }
0x10: {  	[tilespmem:s14], [sflag:$0x1] =	stream.strided.gather [hbm4b:s6+s8], $0x400, s9, s8, $0x38;
	[tilespmem:$0x2400] =	vst v63  }
0x11: {  	_ =	swait.ge [sflag:s10], $0x400  }
0x12: {  	[sflag:s10] =	ssyncset.done $0x0  }
0x13: {  	s15 =	simm.s32 $0x40;
	s16 =	simm.s32 $0x0;
	[sflag:s10] =	ssyncadd.s32 $0xFFFFFC00  }
.LBB2_3:
0x14: {  	p0 =	sne.s32 s15, $0x1FC0;
	[tilespmem:s16+$0x400] =	vst v0;
	s16 =	smov.u32 s15;
	s15 =	sadd.s32 $0x40, s15  }
.Ltmp1:
0x15: {  	(pc) =	sbr.rel @p0 .LBB2_3-.Ltmp1, $2  }
0x16: {  	_ =	sdelay $0x2  }
0x17: {  	s16 =	sshra.s32 s16, $0x2  }
0x18: {  	[tilespmem:s16+$0x400] =	vst v0  }
.LBB2_5:
0x19: {  	s15 =	sshra.s32 s14, $0x2  }
0x1a: {  	v3 =	vld [tilespmem:s15+$0x0];
	_ =	sdelay $0x2  }
0x1b: {  	p0 =	sne.s32 s14, $0xFC0  }
.Ltmp2:
0x1c: {  	_ = 	snop;
	(pc) =	sbr.rel @p0 .LBB2_5-.Ltmp2, $2  }
0x1d: {  	_ =	sdelay $0x2  }
0x1e: {  	s14 =	sadd.s32 $0x40, s14;
	[tilespmem:v3+s9+$0x0] =	vst.idx.add.s32.msk $0xffff, v1  }
0x1f: {  	s14 =	simm.s32 $0x0  }
0x20: {  	v3 =	vld [tilespmem:s14+$0x400];
	_ =	sdelay $0x4  }
0x21: {  	(xrf0) =	vadd.scan.msk.s32 $0xffff, v3;
	_ =	sdelay $0x5  }
0x22: {  	s15 =	simm.s32 $0x0;
	v4, _, _ =	vpop (xrf0)  }
0x23: {  	v4 =	vadd.s32 s15, v4  }
0x24: {  	v5 =	vxor.u32 $0x80000000, v4  }
0x25: {  	(xrf0) =	vmax.scan.msk.u32 $0xffff, v5;
	_ =	sdelay $0x5  }
0x26: {  	v63, _, _ =	vpop (xrf0)  }
0x27: {  	vm0 =	vgt.s32 v3, $0x0;
	(v2sf) =	vpush v63, $0xF  }
0x28: {  	v62 =	vsel vm0, $0x3F800000, v2  }
0x29: {  	[tilespmem:s14+$0x1C00] =	vst v62  }
0x2a: {  	[tilespmem:s14+$0xC00] =	vst v4;
	v3 =	vsub.s32 v4, v3  }
0x2b: {  	s15 =	simm.s32 $0x80;
	[tilespmem:s14+$0x1400] =	vst v3;
	s14 =	simm.s32 $0x10  }
.LBB2_7:
0x2c: {  	p0 =	sne.s32 s15, $0x1FC0;
	v3 =	vld [tilespmem:s14+$0x400];
	_ =	sdelay $0x4  }
0x2d: {  	vm0 =	vgt.s32 v3, $0x0;
	(xrf0) =	vadd.scan.msk.s32 $0xffff, v3  }
0x2e: {  	v4 =	vsel vm0, $0x3F800000, v2  }
0x2f: {  	[tilespmem:s14+$0x1C00] =	vst v4;
	_ =	sdelay $0x2  }
0x30: {  	s16 =	spop (v2sf)  }
0x31: {  	v4, _, _ =	vpop (xrf0);
	s16 =	sxor.u32 $0x80000000, s16  }
0x32: {  	v4 =	vadd.s32 s16, v4  }
0x33: {  	[tilespmem:s14+$0xC00] =	vst v4;
	v3 =	vsub.s32 v4, v3;
	v4 =	vxor.u32 $0x80000000, v4  }
0x34: {  	[tilespmem:s14+$0x1400] =	vst v3;
	(xrf0) =	vmax.scan.msk.u32 $0xffff, v4;
	_ =	sdelay $0x5  }
0x35: {  	v3, _, _ =	vpop (xrf0)  }
.Ltmp3:
0x36: {  	(v2sf) =	vpush v3, $0xF;
	(pc) =	sbr.rel @p0 .LBB2_7-.Ltmp3, $2  }
0x37: {  	_ =	sdelay $0x2  }
0x38: {  	s14 =	sshra.s32 s15, $0x2;
	s15 =	sadd.s32 $0x40, s15  }
0x39: {  	v3 =	vld [tilespmem:s14+$0x400];
	_ =	sdelay $0x4  }
0x3a: {  	(xrf0) =	vadd.scan.msk.s32 $0xffff, v3;
	_ =	sdelay $0x4  }
0x3b: {  	s15 =	spop (v2sf)  }
0x3c: {  	v4, _, _ =	vpop (xrf0);
	s15 =	sxor.u32 $0x80000000, s15  }
0x3d: {  	v4 =	vadd.s32 s15, v4  }
0x3e: {  	v5 =	vxor.u32 $0x80000000, v4  }
0x3f: {  	(xrf0) =	vmax.scan.msk.u32 $0xffff, v5;
	_ =	sdelay $0x5  }
0x40: {  	v5, _, _ =	vpop (xrf0)  }
0x41: {  	(v2sf) =	vpush v5, $0xF;
	_ =	sdelay $0x8  }
0x42: {  	vm0 =	vgt.s32 v3, $0x0  }
0x43: {  	v63 =	vsel vm0, $0x3F800000, v2  }
0x44: {  	[tilespmem:s14+$0x1C00] =	vst v63  }
0x45: {  	[tilespmem:s14+$0xC00] =	vst v4;
	v3 =	vsub.s32 v4, v3  }
0x46: {  	[tilespmem:s14+$0x1400] =	vst v3  }
0x47: {  	[hbm4b:s3+s8] =	stream.strided.scatter [tilespmem:s11], [sflag:$0x1], $0x800, s9, s8, $0x38;
	[tilespmem:$0x2400] =	vst v63  }
0x48: {  	s31 =	spop (v2sf)  }
0x49: {  	_ =	swait.ge [sflag:s10], $0x800  }
0x4a: {  	[sflag:s10] =	ssyncset.done $0x0  }
0x4b: {  	[sflag:s10] =	ssyncadd.s32 $0xFFFFF800  }
0x4c: {  	[hbm4b:s4+s8] =	stream.strided.scatter [tilespmem:s12], [sflag:$0x1], $0x800, s9, s8, $0x38;
	[tilespmem:$0x2400] =	vst v63  }
0x4d: {  	s2 =	sadd.s32 $0x1, s2;
	_ =	swait.ge [sflag:s10], $0x800  }
0x4e: {  	p0 =	sne.s32 s2, s7;
	[sflag:s10] =	ssyncset.done $0x0  }
.Ltmp4:
0x4f: {  	[sflag:s10] =	ssyncadd.s32 $0xFFFFF800;
	(pc) =	sbr.rel @p0 .LBB2_2-.Ltmp4, $4  }
0x50: {  	[hbm4b:s5+s8] =	stream.strided.scatter [tilespmem:s13], [sflag:$0x1], $0x800, s9, s8, $0x38;
	[tilespmem:$0x2400] =	vst v63  }
0x51: {  	_ =	swait.ge [sflag:s10], $0x800  }
0x52: {  	[sflag:s10] =	ssyncset.done $0x0  }
0x53: {  	[sflag:s10] =	ssyncadd.s32 $0xFFFFF800  }
.LBB2_9:
0x54: {  	_ =	sfence.sel $0x180000  }
0x55: {  	[bflag:$0x0] =	sbarrier.arrive $0xFFFF  }
0x56: {  	p0 =	sne.s32 s1, $0x0;
	_ =	strace $0x9000004D  }
0x57: {  	s0 =	sadd.s32 @!p0 $0x100000, s0;
	[bflag:$0x2] =	sbarrier.arrive $0xFFFF  }
0x58: {  	[sflag:s0] =	ssyncadd.tile.s32 @!p0 $0x1;
	_ =	shalt  }
.Lfunc_end2:
_tile_overlayer_lowered:
.L_overlay_start_2:
0x59: {  	(tag) =	ssettag $0x2  }
0x5a: {  	s0 =	rddreg [dreg:$0x0];
	s2 =	stileid.u32  }
0x5b: {  	s1 =	rddreg [dreg:$0x1];
	p0 =	sne.s32 s2, $0x0  }
0x5c: {  	s3 =	rddreg [dreg:$0x2];
	[bflag:$0x3] =	sbarrier.arrive $0xFFFF;
	s2 =	simm.s32 @!p0 $0x1C01  }
0x5d: {  	[timem:s3], [sflag:s2] =	dma.local @!p0 [hbm:s0], s1  }
0x5e: {  	s0 =	simm.s32 @!p0 $0x1  }
0x5f: {  	_ =	swait.ge @!p0 [sflag:s0], s1  }
0x60: {  	s1 =	ssub.s32 @!p0 $0x0, s1;
	[sflag:s0] =	ssyncset.done @!p0 $0x0  }
0x61: {  	[sflag:s0] =	ssyncadd.s32 @!p0 s1  }
0x62: {  	[bflag:$0x3] =	sbarrier.arrive $0xFFFF  }
0x63: {  	_ =	shalt  }

// kernel: kernel.8.cloned.1.call-start
scs
__scs_entry_jumppad:
0x0: {  	(pc) =	sbr.rel $0x88, $3  }
0x1: {  	(tag) =	ssettag $0x0;
	lr =	simm.s32 $0x1  }
0x2: {  	[smem:$0x3F9F] =	sst lr;
	_ =	strace $0xD0000000  }
0x3: {  	_ = 	snop  }
0x4: {  	_ = 	snop  }
0x5: {  	_ = 	snop  }
0x6: {  	_ = 	snop  }
0x7: {  	_ = 	snop  }
__scs_overlays_trampoline_lowered:
0x8: {  	[smem:$0x3FAE] =	sst s0  }
0x9: {  	[smem:$0x3FAF] =	sst s1  }
0xa: {  	[smem:$0x3FB0] =	sst s2  }
0xb: {  	[smem:$0x3FB1] =	sst s3  }
0xc: {  	[smem:$0x3FB2] =	sst s4  }
0xd: {  	[smem:$0x3FB3] =	sst s5  }
0xe: {  	[smem:$0x3FB4] =	sst s6  }
0xf: {  	[smem:$0x3FB5] =	sst s7  }
0x10: {  	[smem:$0x3FB6] =	sst s8  }
0x11: {  	[smem:$0x3FB7] =	sst s9;
	s0 =	simm.s32 @!p0 $0x0  }
0x12: {  	s1 =	sld [smem:$0x3F9D];
	s0 =	simm.s32 @p0 $0x1  }
0x13: {  	[smem:$0x3FB8] =	sst s0;
	s0 =	simm.s32 @!p1 $0x0  }
0x14: {  	s2 =	sld [smem:$0x3F9C];
	s0 =	simm.s32 @p1 $0x1  }
0x15: {  	[smem:$0x3FB9] =	sst s0;
	s0 =	simm.s32 @!p2 $0x0  }
0x16: {  	s3 =	sld [smem:$0x3FDB];
	s0 =	simm.s32 @p2 $0x1  }
0x17: {  	s4 =	simm.s32 $0x1BF5;
	[smem:$0x3FBB] =	sst s0  }
0x18: {  	s0 =	sld [smem:$0x3F9E];
	_ =	swait.ge [sflag:s4], $0x0  }
0x19: {  	s7 =	sld [smem:$0x3F9F]  }
0x1a: {  	s8 =	sadd.s32 $0xFFFFE003, lr  }
0x1b: {  	s9 =	sadd.s32 $0xFFFFFEF7, lr;
	s5 =	simm.s32 $0xFFFFFFFF;
	p2 =	slt.u32 s8, $0xFFFFF086  }
0x1c: {  	p1 =	slt.u32 s9, $0xF7A;
	s5 =	simm.s32 @!p2 $0x0  }
0x1d: {  	s5 =	simm.s32 @p1 $0x1;
	p0 =	seq.s32 s7, s2  }
0x1e: {  	s7 =	smul.u32 @!p0 $0xF7A, s2;
	p2 =	seq.s32 @!p0 s5, $0x0  }
0x1f: {  	s9 =	smul.u32 $0xF7A, s1;
	s8 =	simm.s32 @!p0 $0x1BF5;
	p2 =	por !p2, p0  }
0x20: {  	[sflag:s8] =	ssyncset.s32 @!p0 $0xFFFFF086;
	s6 =	sadd.s32 @!p0 s3, s7;
	s7 =	simm.s32 @!p0 $0x108  }
0x21: {  	s3 =	sadd.s32 s3, s9;
	s6 =	sadd.s32 @!p0 $0x88, s6;
	s7 =	simm.s32 @p2 $0x1082  }
0x22: {  	[simem:s7], [sflag:s8] =	dma.local @!p0 [hbm:s6], $0xF7A  }
0x23: {  	s9 =	sor.u32 $0xD0000000, s2;
	s6 =	simm.s32 $0x108;
	_ =	swait.ge @!p0 [sflag:s8], $0x0  }
0x24: {  	s3 =	sadd.s32 $0x88, s3;
	s6 =	simm.s32 @!p1 $0x1082;
	[sflag:s4] =	ssyncset.s32 $0xFFFFF086  }
0x25: {  	[simem:s6], [sflag:s4] =	dma.local [hbm:s3], $0xF7A  }
0x26: {  	[smem:$0x3F9F] =	sst s1;
	(tag) =	ssettag s2;
	_ =	strace s9  }
0x27: {  	s1 =	sld [smem:$0x3FAF]  }
0x28: {  	s2 =	sld [smem:$0x3FB0]  }
0x29: {  	s4 =	sld [smem:$0x3FB2]  }
0x2a: {  	p0 =	seq.s32 s5, $0x0;
	s5 =	sld [smem:$0x3FB3]  }
0x2b: {  	s6 =	sld [smem:$0x3FB4]  }
0x2c: {  	s7 =	sld [smem:$0x3FB5]  }
0x2d: {  	s3 =	simm.s32 $0x108;
	s8 =	sld [smem:$0x3FB6]  }
0x2e: {  	s3 =	simm.s32 @!p0 $0x1082;
	s9 =	sld [smem:$0x3FB7]  }
0x2f: {  	lr =	sadd.s32 s0, s3;
	s0 =	sld [smem:$0x3FAE]  }
0x30: {  	s3 =	sld [smem:$0x3FB1]  }
0x31: {  	[smem:$0x3FBA] =	sst s10  }
0x32: {  	s10 =	sld [smem:$0x3FB8];
	_ =	sdelay $0x3  }
0x33: {  	p0 =	seq.s32 s10, $0x1;
	s10 =	sld [smem:$0x3FBA];
	_ =	sdelay $0x3  }
0x34: {  	[smem:$0x3FBA] =	sst s10  }
0x35: {  	s10 =	sld [smem:$0x3FB9];
	_ =	sdelay $0x3  }
0x36: {  	p1 =	seq.s32 s10, $0x1;
	s10 =	sld [smem:$0x3FBA];
	_ =	sdelay $0x3  }
0x37: {  	[smem:$0x3FBA] =	sst s10  }
0x38: {  	s10 =	sld [smem:$0x3FBB]  }
0x39: {  	_ = 	snop;
	(pc) =	sbr.ind lr, $3  }
0x3a: {  	_ = 	snop  }
0x3b: {  	_ = 	snop  }
0x3c: {  	p2 =	seq.s32 s10, $0x1;
	s10 =	sld [smem:$0x3FBA]  }
0x3d: {  	_ =	shalt  }
0x3e: {  	_ =	shalt  }
0x3f: {  	_ =	shalt  }
0x40: {  	_ =	shalt  }
0x41: {  	_ =	shalt  }
0x42: {  	_ =	shalt  }
0x43: {  	_ =	shalt  }
0x44: {  	_ =	shalt  }
0x45: {  	_ =	shalt  }
0x46: {  	_ =	shalt  }
0x47: {  	_ =	shalt  }
0x48: {  	_ =	shalt  }
0x49: {  	_ =	shalt  }
0x4a: {  	_ =	shalt  }
0x4b: {  	_ =	shalt  }
0x4c: {  	_ =	shalt  }
0x4d: {  	_ =	shalt  }
0x4e: {  	_ =	shalt  }
0x4f: {  	_ =	shalt  }
0x50: {  	_ =	shalt  }
0x51: {  	_ =	shalt  }
0x52: {  	_ =	shalt  }
0x53: {  	_ =	shalt  }
0x54: {  	_ =	shalt  }
0x55: {  	_ =	shalt  }
0x56: {  	_ =	shalt  }
0x57: {  	_ =	shalt  }
0x58: {  	_ =	shalt  }
0x59: {  	_ =	shalt  }
0x5a: {  	_ =	shalt  }
0x5b: {  	_ =	shalt  }
0x5c: {  	_ =	shalt  }
0x5d: {  	_ =	shalt  }
0x5e: {  	_ =	shalt  }
0x5f: {  	_ =	shalt  }
0x60: {  	_ =	shalt  }
0x61: {  	_ =	shalt  }
0x62: {  	_ =	shalt  }
0x63: {  	_ =	shalt  }
0x64: {  	_ =	shalt  }
0x65: {  	_ =	shalt  }
0x66: {  	_ =	shalt  }
0x67: {  	_ =	shalt  }
0x68: {  	_ =	shalt  }
0x69: {  	_ =	shalt  }
0x6a: {  	_ =	shalt  }
0x6b: {  	_ =	shalt  }
0x6c: {  	_ =	shalt  }
0x6d: {  	_ =	shalt  }
0x6e: {  	_ =	shalt  }
0x6f: {  	_ =	shalt  }
0x70: {  	_ =	shalt  }
0x71: {  	_ =	shalt  }
0x72: {  	_ =	shalt  }
0x73: {  	_ =	shalt  }
0x74: {  	_ =	shalt  }
0x75: {  	_ =	shalt  }
0x76: {  	_ =	shalt  }
0x77: {  	_ =	shalt  }
0x78: {  	_ =	shalt  }
0x79: {  	_ =	shalt  }
0x7a: {  	_ =	shalt  }
0x7b: {  	_ =	shalt  }
0x7c: {  	_ =	shalt  }
0x7d: {  	_ =	shalt  }
0x7e: {  	_ =	shalt  }
0x7f: {  	_ =	shalt  }
0x80: {  	_ =	shalt  }
0x81: {  	_ =	shalt  }
0x82: {  	_ =	shalt  }
0x83: {  	_ =	shalt  }
0x84: {  	_ =	shalt  }
0x85: {  	_ =	shalt  }
0x86: {  	_ =	shalt  }
0x87: {  	_ =	shalt  }
.Lfunc_end0:
.L_simem_size_0:
called_computation.3_lowered:
.L_overlay_start_0:
0x88: {  	s2 =	sld [smem:$0x3FD9]  }
0x89: {  	s3 =	sld [smem:$0x3FFE];
	_ =	sdelay $0x1  }
0x8a: {  	s1 =	srdreg.scid  }
0x8b: {  	s0 =	sand.u32 $0x1, s1  }
0x8c: {  	s17 =	sshll.u32 s0, $0xA;
	s2 =	sadd.s32 s3, s2  }
0x8d: {  	s2 =	sadd.s32 s2, s17  }
0x8e: {  	[smem:$0x3FC6] =	sst s2  }
0x8f: {  	_ = 	snop  }
0x90: {  	s2 =	sld [smem:$0x3FD0];
	(tm) =	ssettm $0x1  }
0x91: {  	s18 =	sld [smem:$0x3FFB];
	_ =	sdelay $0x3  }
0x92: {  	_ =	strace s18  }
0x93: {  	s3 =	sld [smem:$0x3FFC];
	_ =	sdelay $0x3  }
0x94: {  	_ =	strace s3  }
0x95: {  	s3 =	sld [smem:$0x3FFD];
	_ =	sdelay $0x3  }
0x96: {  	_ =	strace s3  }
0x97: {  	_ =	strace $0x8FFFFFFF  }
0x98: {  	s19 =	sld [smem:$0x3FDB];
	_ =	sdelay $0x1  }
0x99: {  	s4 =	simm.s32 $_scs_section_size  }
0x9a: {  	s5 =	simm.s32 $_size__tile_overlayer_lowered;
	s6 =	simm.s32 $_tile_overlayer_lowered  }
0x9b: {  	s22 =	simm.s32 $0x1BFF;
	s21 =	sshll.u32 s6, $0x1;
	s3 =	sadd.s32 s4, s19  }
0x9c: {  	s7 =	simm.s32 $0x0;
	s20 =	sshll.u32 s5, $0x1;
	s5 =	sadd.s32 s21, s3  }
0x9d: {  	[timem:s7], [sflag:s22] =	dma.local [hbm:s5], s20  }
0x9e: {  	_ =	swait.ge [sflag:s22], s20  }
0x9f: {  	s4 =	ssub.s32 $0x0, s20;
	[sflag:s22] =	ssyncset.done $0x0  }
0xa0: {  	[sflag:s22] =	ssyncadd.s32 s4;
	_ =	sdelay $0x1  }
0xa1: {  	s23 =	simm.s32 $0x1B8B  }
0xa2: {  	_ =	swait.ge [sflag:s23], $0x1  }
0xa3: {  	[sflag:s23] =	ssyncset.done $0x0  }
0xa4: {  	s25 =	simm.s32 $0x1B8E;
	s24 =	sld [smem:$0x3FFE];
	[sflag:s23] =	ssyncadd.s32 $0xFFFFFFFF  }
0xa5: {  	s26 =	simm.s32 $execute0_lowered;
	[smem:$0x3FD2] =	sst s25  }
0xa6: {  	s5 =	sshll.u32 s26, $0x1;
	_ =	strace $0x8000004F;
	[dreg:$0x1] =	wrdreg $0xFFFFFFFF  }
0xa7: {  	s28 =	simm.s32 $_size_execute0_lowered;
	s3 =	sadd.s32 s3, s5;
	[dreg:$0x0] =	wrdreg $0x0  }
0xa8: {  	s5 =	sshll.u32 s28, $0x1;
	[dreg:$0x2] =	wrdreg s3  }
0xa9: {  	[dreg:$0x3] =	wrdreg s5  }
0xaa: {  	[dreg:$0x4] =	wrdreg $0xC0  }
0xab: {  	_ =	task [dreg:s7], $0x5FFFF  }
0xac: {  	[dreg:$0x1] =	wrdreg $0xFFFFFFFF  }
0xad: {  	[dreg:$0x0] =	wrdreg $0x60  }
0xae: {  	[dreg:$0x2] =	wrdreg s24  }
0xaf: {  	[dreg:$0x3] =	wrdreg s2  }
0xb0: {  	[dreg:$0x4] =	wrdreg $0x9  }
0xb1: {  	_ =	task.clear_ibuf [dreg:s7], $0x5FFFF;
	_ =	strace $0x9000004F  }
0xb2: {  	s29 =	simm.s32 $0x9;
	_ =	strace $0x80000051  }
0xb3: {  	_ =	swait.ge [sflag:s29], $0x1  }
0xb4: {  	[sflag:s29] =	ssyncadd.s32 $0xFFFFFFFF  }
0xb5: {  	_ =	strace $0x90000051  }
0xb6: {  	_ =	sfence  }
0xb7: {  	s30 =	sld [smem:$0x0];
	_ =	sdelay $0x2  }
0xb8: {  	s31 =	sshll.u32 s1, $0xD;
	s1 =	sshrl.u32 s1, $0x2  }
0xb9: {  	s3 =	sand.u32 $0x4000, s31;
	s1 =	sadd.s32 s1, s30  }
0xba: {  	s0 =	sor.u32 s3, s0;
	s1 =	sshll.u32 s1, $0x11  }
0xbb: {  	s0 =	sor.u32 s1, s0  }
0xbc: {  	s0 =	sadd.s32 $0x8F2B, s0  }
0xbd: {  	[sflag:s0] =	ssyncadd.remote.s32 $0x1  }
0xbe: {  	_ =	sfence.sel $0xFFFF  }
0xbf: {  	[dreg:$0x0] =	wrdreg $0xFFFFFFFF;
	(pc) =	sbr.abs _section_cstart, $3  }
0xc0: {  	[dreg:$0x1] =	wrdreg $0xFFFFFFFF  }
0xc1: {  	_ =	task.clear_ibuf [dreg:s7], $0x2FFFF;
	_ =	strace $0x9FFFFFFF  }
0xc2: {  	(tm) =	ssettm $0x7FFFFFFF  }
0xc3: {  	_ =	shalt  }
tec
execute0_lowered:
.L_overlay_start_1:
0x0: {  	(tag) =	ssettag $0x1  }
0x1: {  	s0 =	rddreg [dreg:$0x0]  }
0x2: {  	s1 =	rddreg [dreg:$0x1];
	s2 =	simm.s32 $0x0;
	s10 =	stileid.u32  }
0x3: {  	s4 =	srdreg.scid;
	s13 =	simm.s32 $0x80;
	s14 =	simm.s32 $0x400  }
0x4: {  	s15 =	simm.s32 $0x3;
	s17 =	simm.s32 $0x4000;
	s18 =	simm.s32 $0x1000  }
0x5: {  	s19 =	simm.s32 $0x9000;
	s20 =	simm.s32 $0x5000;
	s21 =	simm.s32 $0xD000  }
0x6: {  	s22 =	simm.s32 $0x1;
	s23 =	simm.s32 $0x2;
	s24 =	simm.s32 $0x0  }
0x7: {  	[smem:$0x7FF] =	sst s2;
	s8 =	sshrl.u32 s10, $0x1;
	s3 =	sadd.s32 $0x302000, s0  }
0x8: {  	s5 =	sand.u32 $0x1, s4;
	s10 =	sshll.u32 s10, $0x1;
	s4 =	sadd.s32 $0x402000, s0  }
0x9: {  	_ =	strace $0x80000050;
	s6 =	sshll.u32 s8, $0x4;
	s9 =	ssub.s32 $0x2, s5  }
0xa: {  	s10 =	sand.u32 $0x2, s10;
	s29 =	sshll.u32 s8, $0x16;
	s31 =	sshll.u32 s8, $0x14  }
.Ltmp0:
0xb: {  	s7 =	sadd.s32 s6, s0;
	s26 =	sshrl.u32 s9, $0x1;
	(pc) =	sbr.rel .LBB2_1-.Ltmp0, $4  }
0xc: {  	s5 =	sor.u32 s5, s10;
	s1 =	sadd.s32 s1, s6;
	s10 =	sadd.s32 $0xFFFFFFFF, s31  }
0xd: {  	s0 =	ssub.s32 s9, s26;
	[dreg:$0x3] =	wrdreg s1;
	s28 =	sadd.s32 $0x301800, s7  }
0xe: {  	s30 =	sshll.u32 s5, $0x14;
	s8 =	sshll.u32 s5, $0x9;
	[dreg:$0x4] =	wrdreg s28  }
0xf: {  	v0 =	vlaneseq.u32;
	s9 =	sor.u32 s29, s30;
	s11 =	sor.u32 $0x10, s8;
	s12 =	smax.u32 s0, $0x1;
	v1 =	vmov s8  }
.LBB2_17:
0x10: {  	s24 =	sadd.s32 $0x1, s24  }
0x11: {  	p0 =	sne.s32 s24, s12  }
.Ltmp1:
0x12: {  	_ = 	snop;
	(pc) =	sbr.rel @!p0 .LBB2_18-.Ltmp1, $1  }
0x13: {  	_ =	sdelay $0x3  }
.LBB2_1:
0x14: {  	s0 =	rddreg [dreg:$0x3]  }
0x15: {  	[tilespmem:s2], [sflag:$0x3] =	stream.strided.gather [hbm4b:s0+s13], $0x800, s14, s13, $0x38;
	[tilespmem:$0x11000] =	vst v63  }
0x16: {  	_ =	swait.ge [sflag:s15], $0x800  }
0x17: {  	[sflag:s15] =	ssyncset.done $0x0  }
0x18: {  	s1 =	simm.s32 $0x800;
	s31 =	rddreg [dreg:$0x4];
	[sflag:s15] =	ssyncadd.s32 $0xFFFFF800  }
0x19: {  	[tilespmem:s1], [sflag:$0x3] =	stream.strided.gather [hbm4b:s31+s13], $0x800, s14, s13, $0x38;
	[tilespmem:$0x11000] =	vst v63  }
0x1a: {  	_ =	swait.ge [sflag:s15], $0x800  }
0x1b: {  	[sflag:s15] =	ssyncset.done $0x0  }
0x1c: {  	s25 =	simm.s32 $0x0;
	[sflag:s15] =	ssyncadd.s32 $0xFFFFF800  }
.LBB2_2:
0x1d: {  	s0 =	sor.u32 s5, s25  }
0x1e: {  	p1 =	sne.s32 s25, $0x0;
	p0 =	seq.s32 s0, $0x0  }
0x1f: {  	p0 =	por !p1, !p0  }
0x20: {  	s0 =	simm.s32 $0xFFFFFFFF;
	p0 =	por !p0, !p0  }
0x21: {  	s0 =	simm.s32 @!p0 $0x0  }
0x22: {  	s0 =	sshll.u32 s0, $0x4  }
0x23: {  	v2 =	vld.idx.msk [tilespmem:v1+s0+$0x800 ss:$0x1], $0xffff  }
0x24: {  	v3 =	vld.idx.msk [tilespmem:v1+s0+$0x0 ss:$0x1], $0xffff;
	_ =	sdelay $0x2  }
0x25: {  	v4 =	vmov s25  }
0x26: {  	vm0 =	veq.s32 v4, v0;
	v2 =	vxor.u32 $0x80000000, v2  }
0x27: {  	v3 =	vxor.u32 $0x80000000, v3;
	v2 =	vnsel vm0, $0x80000000, v2  }
0x28: {  	(xrf0) =	vmax.scan.msk.u32 $0xffff, v2;
	v2 =	vnsel vm0, $0x80000000, v3  }
0x29: {  	(xrf0) =	vmax.scan.msk.u32 $0xffff, v2;
	_ =	sdelay $0x4  }
0x2a: {  	v2, _, _ =	vpop (xrf0)  }
0x2b: {  	(v2sf) =	vpush v2, $0xF;
	v2, _, _ =	vpop (xrf0)  }
0x2c: {  	(v2sf) =	vpush v2, $0xF;
	_ =	sdelay $0xd  }
0x2d: {  	s26 =	sshll.u32 s25, $0xB;
	s30 =	spop (v2sf)  }
0x2e: {  	s28 =	simm.s32 $0x0;
	s31 =	sand.u32 $0x3FFFF800, s26;
	s1 =	spop (v2sf)  }
0x2f: {  	s16 =	sxor.u32 $0x80000000, s30;
	s0 =	sshll.u32 s30, $0xA;
	s1 =	sxor.u32 $0x80000000, s1  }
0x30: {  	s26 =	sadd.s32 $0x1000, s31;
	s0 =	sadd.s32 s0, s10;
	s1 =	ssub.s32 s1, s16  }
0x31: {  	v4 =	vld [tilespmem:s28+$0x0];
	v3 =	vmov s0;
	s0 =	simm.s32 $0x10;
	v2 =	vmov s1;
	p0 =	sgt.s32 s1, $0x0;
	s1 =	simm.s32 $0x0  }
.LBB2_3:
0x32: {  	p1 =	sne.s32 s0, $0x7F0;
	_ =	sdelay $0x3  }
0x33: {  	v5 =	vmul.u32 v2, v4;
	_ =	sdelay $0x1  }
0x34: {  	v5 =	vadd.s32 v3, v5  }
.Ltmp2:
0x35: {  	s16 =	sand.u32 $0x780, s28;
	vm0 =	vgt.s32 v5, $0x0;
	(pc) =	sbr.rel @p1 .LBB2_3-.Ltmp2, $4  }
0x36: {  	s29 =	sand.u32 $0x70, s28;
	s28 =	smov.u32 s0;
	s16 =	sadd.s32 s16, s26;
	v5 =	vnsel vm0, $0x0, v5  }
0x37: {  	s16 =	sadd.s32 s29, s16;
	v4 =	vpsel p0, v5, v4  }
0x38: {  	s1 =	sadd.s32 $0x10, s1;
	[tilespmem:s16+$0x0] =	vst v4  }
0x39: {  	s0 =	sadd.s32 $0x10, s0;
	v4 =	vld [tilespmem:s1+$0x0]  }
0x3a: {  	_ =	sdelay $0x3  }
0x3b: {  	v2 =	vmul.u32 v2, v4;
	_ =	sdelay $0x1  }
0x3c: {  	v2 =	vadd.s32 v3, v2  }
0x3d: {  	vm0 =	vgt.s32 v2, $0x0  }
0x3e: {  	s25 =	sadd.s32 $0x1, s25;
	v2 =	vnsel vm0, $0x0, v2  }
0x3f: {  	v2 =	vpsel p0, v2, v4;
	p0 =	sne.s32 s25, $0x8  }
.Ltmp3:
0x40: {  	_ = 	snop;
	(pc) =	sbr.rel @p0 .LBB2_2-.Ltmp3, $4  }
0x41: {  	s0 =	sand.u32 $0x780, s28  }
0x42: {  	s1 =	sand.u32 $0x70, s28;
	s0 =	sadd.s32 s0, s26  }
0x43: {  	s0 =	sadd.s32 s1, s0  }
0x44: {  	[tilespmem:s0+$0x0] =	vst v2  }
.Ltmp4:
0x45: {  	(pc) =	sbr.rel .LBB2_6-.Ltmp4, $3  }
0x46: {  	_ =	sdelay $0x1  }
0x47: {  	[tilespmem:s19], [sflag:$0x1] =	stream.indirect.gather [hbm4b:s3+s17], $0x1, s18, s17, $0xb8;
	[tilespmem:$0x11000] =	vst v63  }
0x48: {  	s25 =	simm.s32 $0x0  }
.LBB2_16:
0x49: {  	_ =	swait.ge [sflag:s23], $0x4000;
	s25 =	sadd.s32 $0x1, s25  }
0x4a: {  	s0 =	sadd.s32 s28, s4;
	[sflag:s23] =	ssyncset.done $0x0;
	p0 =	sne.s32 s25, $0x20  }
.Ltmp5:
0x4b: {  	s0 =	sadd.s32 $0x800, s0;
	[sflag:s23] =	ssyncadd.s32 $0xFFFFC000;
	(pc) =	sbr.rel @!p0 .LBB2_17-.Ltmp5, $4  }
0x4c: {  	[hbm4b:s0+s2] =	stream.linear.scatter [tilespmem:s21], [sflag:$0x3], $0x4000, $0x38;
	[tilespmem:$0x11000] =	vst v63  }
0x4d: {  	_ =	swait.ge [sflag:s15], $0x4000  }
0x4e: {  	[sflag:s15] =	ssyncset.done $0x0  }
0x4f: {  	[sflag:s15] =	ssyncadd.s32 $0xFFFFC000  }
.LBB2_6:
0x50: {  	s26 =	sshll.u32 s25, $0x4  }
0x51: {  	s29 =	simm.s32 $0x0;
	s28 =	sadd.s32 s8, s26  }
.LBB2_7:
0x52: {  	v2 =	vld [tilespmem:s28+$0x800]  }
0x53: {  	v3 =	vld [tilespmem:s28+$0x0];
	_ =	sdelay $0x1  }
0x54: {  	s0 =	sor.u32 $0x8, s29  }
0x55: {  	v4 =	vmov s0  }
0x56: {  	vm0 =	veq.s32 v4, v0;
	v2 =	vxor.u32 $0x80000000, v2  }
0x57: {  	v3 =	vxor.u32 $0x80000000, v3;
	v2 =	vnsel vm0, $0x80000000, v2  }
0x58: {  	(xrf0) =	vmax.scan.msk.u32 $0xffff, v2;
	v2 =	vnsel vm0, $0x80000000, v3  }
0x59: {  	(xrf0) =	vmax.scan.msk.u32 $0xffff, v2;
	_ =	sdelay $0x4  }
0x5a: {  	v2, _, _ =	vpop (xrf0)  }
0x5b: {  	(v2sf) =	vpush v2, $0xF;
	v2, _, _ =	vpop (xrf0)  }
0x5c: {  	(v2sf) =	vpush v2, $0xF;
	_ =	sdelay $0xd  }
0x5d: {  	s30 =	sshll.u32 s29, $0xB;
	s6 =	spop (v2sf)  }
0x5e: {  	s31 =	simm.s32 $0x0;
	s7 =	sand.u32 $0x3FFFF800, s30;
	s1 =	spop (v2sf)  }
0x5f: {  	s16 =	sxor.u32 $0x80000000, s6;
	s0 =	sshll.u32 s6, $0xA;
	s1 =	sxor.u32 $0x80000000, s1  }
0x60: {  	s30 =	sadd.s32 $0x5000, s7;
	s0 =	sadd.s32 s0, s10;
	s1 =	ssub.s32 s1, s16  }
0x61: {  	v4 =	vld [tilespmem:s31+$0x0];
	v3 =	vmov s0;
	s0 =	simm.s32 $0x10;
	v2 =	vmov s1;
	p0 =	sgt.s32 s1, $0x0;
	s1 =	simm.s32 $0x0  }
.LBB2_8:
0x62: {  	p1 =	sne.s32 s0, $0x7F0;
	_ =	sdelay $0x3  }
0x63: {  	v5 =	vmul.u32 v2, v4;
	_ =	sdelay $0x1  }
0x64: {  	v5 =	vadd.s32 v3, v5  }
.Ltmp6:
0x65: {  	s16 =	sand.u32 $0x780, s31;
	vm0 =	vgt.s32 v5, $0x0;
	(pc) =	sbr.rel @p1 .LBB2_8-.Ltmp6, $4  }
0x66: {  	s6 =	sand.u32 $0x70, s31;
	s31 =	smov.u32 s0;
	s16 =	sadd.s32 s16, s30;
	v5 =	vnsel vm0, $0x0, v5  }
0x67: {  	s6 =	sadd.s32 s6, s16;
	v4 =	vpsel p0, v5, v4  }
0x68: {  	s1 =	sadd.s32 $0x10, s1;
	[tilespmem:s6+$0x0] =	vst v4  }
0x69: {  	s0 =	sadd.s32 $0x10, s0;
	v4 =	vld [tilespmem:s1+$0x0]  }
0x6a: {  	_ =	sdelay $0x3  }
0x6b: {  	v2 =	vmul.u32 v2, v4;
	_ =	sdelay $0x1  }
0x6c: {  	v2 =	vadd.s32 v3, v2  }
0x6d: {  	vm0 =	vgt.s32 v2, $0x0  }
0x6e: {  	s29 =	sadd.s32 $0x1, s29;
	v2 =	vnsel vm0, $0x0, v2  }
0x6f: {  	v2 =	vpsel p0, v2, v4;
	p0 =	sne.s32 s29, $0x8  }
.Ltmp7:
0x70: {  	_ = 	snop;
	(pc) =	sbr.rel @p0 .LBB2_7-.Ltmp7, $4  }
0x71: {  	s0 =	sand.u32 $0x780, s31  }
0x72: {  	s1 =	sand.u32 $0x70, s31;
	s0 =	sadd.s32 s0, s30  }
0x73: {  	s0 =	sadd.s32 s1, s0  }
0x74: {  	[tilespmem:s0+$0x0] =	vst v2  }
0x75: {  	[tilespmem:s21], [sflag:$0x2] =	stream.indirect.gather [hbm4b:s3+s17], $0x1, s20, s17, $0xb8;
	[tilespmem:$0x11000] =	vst v63  }
0x76: {  	s0 =	sshll.u32 s25, $0xF  }
0x77: {  	_ =	swait.ge [sflag:s22], $0x4000;
	s0 =	sor.u32 s9, s0  }
0x78: {  	p0 =	seq.s32 s25, $0x1F;
	[sflag:s22] =	ssyncset.done $0x0;
	s28 =	sshrl.u32 s0, $0x3  }
.Ltmp8:
0x79: {  	[sflag:s22] =	ssyncadd.s32 $0xFFFFC000;
	s0 =	sadd.s32 s4, s28;
	(pc) =	sbr.rel @p0 .LBB2_16-.Ltmp8, $4  }
0x7a: {  	[hbm4b:s0+s2] =	stream.linear.scatter [tilespmem:s19], [sflag:$0x3], $0x4000, $0x38;
	[tilespmem:$0x11000] =	vst v63  }
0x7b: {  	_ =	swait.ge [sflag:s15], $0x4000  }
0x7c: {  	[sflag:s15] =	ssyncset.done $0x0  }
0x7d: {  	[sflag:s15] =	ssyncadd.s32 $0xFFFFC000  }
0x7e: {  	s26 =	sadd.s32 s26, s11;
	s29 =	simm.s32 $0x0;
	s30 =	simm.s32 $0x0  }
.LBB2_12:
0x7f: {  	v2 =	vld [tilespmem:s26+$0x800]  }
0x80: {  	v3 =	vld [tilespmem:s26+$0x0];
	_ =	sdelay $0x2  }
0x81: {  	v4 =	vmov s30  }
0x82: {  	vm0 =	veq.s32 v4, v0;
	v2 =	vxor.u32 $0x80000000, v2  }
0x83: {  	v3 =	vxor.u32 $0x80000000, v3;
	v2 =	vnsel vm0, $0x80000000, v2  }
0x84: {  	(xrf0) =	vmax.scan.msk.u32 $0xffff, v2;
	v2 =	vnsel vm0, $0x80000000, v3  }
0x85: {  	(xrf0) =	vmax.scan.msk.u32 $0xffff, v2;
	_ =	sdelay $0x4  }
0x86: {  	v2, _, _ =	vpop (xrf0)  }
0x87: {  	(v2sf) =	vpush v2, $0xF;
	v2, _, _ =	vpop (xrf0)  }
0x88: {  	(v2sf) =	vpush v2, $0xF;
	_ =	sdelay $0xc  }
0x89: {  	s16 =	sshll.u32 s30, $0xB  }
0x8a: {  	s16 =	sand.u32 $0x3FFFF800, s16;
	s0 =	spop (v2sf)  }
0x8b: {  	s31 =	sadd.s32 $0x1000, s16;
	s1 =	spop (v2sf)  }
0x8c: {  	s6 =	sxor.u32 $0x80000000, s0;
	s0 =	sshll.u32 s0, $0xA;
	s1 =	sxor.u32 $0x80000000, s1  }
0x8d: {  	s16 =	simm.s32 $0x0;
	s0 =	sadd.s32 s0, s10;
	s1 =	ssub.s32 s1, s6  }
0x8e: {  	v4 =	vld [tilespmem:s29+$0x0];
	v3 =	vmov s0;
	s0 =	simm.s32 $0x0;
	p0 =	sgt.s32 s1, $0x0;
	v2 =	vmov s1;
	s1 =	simm.s32 $0x10  }
.LBB2_13:
0x8f: {  	p1 =	sne.s32 s1, $0x7F0;
	_ =	sdelay $0x3  }
0x90: {  	v5 =	vmul.u32 v2, v4;
	_ =	sdelay $0x1  }
0x91: {  	v5 =	vadd.s32 v3, v5  }
.Ltmp9:
0x92: {  	s6 =	sand.u32 $0x780, s0;
	vm0 =	vgt.s32 v5, $0x0;
	(pc) =	sbr.rel @p1 .LBB2_13-.Ltmp9, $4  }
0x93: {  	s7 =	sand.u32 $0x70, s0;
	s0 =	smov.u32 s1;
	s6 =	sadd.s32 s6, s31;
	v5 =	vnsel vm0, $0x0, v5  }
0x94: {  	s6 =	sadd.s32 s7, s6;
	v4 =	vpsel p0, v5, v4  }
0x95: {  	s16 =	sadd.s32 $0x10, s16;
	[tilespmem:s6+$0x0] =	vst v4  }
0x96: {  	s1 =	sadd.s32 $0x10, s1;
	v4 =	vld [tilespmem:s16+$0x0]  }
0x97: {  	_ =	sdelay $0x3  }
0x98: {  	v2 =	vmul.u32 v2, v4;
	_ =	sdelay $0x1  }
0x99: {  	v2 =	vadd.s32 v3, v2  }
0x9a: {  	vm0 =	vgt.s32 v2, $0x0  }
0x9b: {  	s30 =	sadd.s32 $0x1, s30;
	v2 =	vnsel vm0, $0x0, v2  }
0x9c: {  	v2 =	vpsel p0, v2, v4;
	p0 =	sne.s32 s30, $0x8  }
.Ltmp10:
0x9d: {  	_ = 	snop;
	(pc) =	sbr.rel @p0 .LBB2_12-.Ltmp10, $4  }
0x9e: {  	s1 =	sand.u32 $0x780, s0  }
0x9f: {  	s16 =	sand.u32 $0x70, s0;
	s1 =	sadd.s32 s1, s31  }
0xa0: {  	s0 =	sadd.s32 s16, s1  }
0xa1: {  	[tilespmem:s0+$0x0] =	vst v2  }
.Ltmp11:
0xa2: {  	(pc) =	sbr.rel .LBB2_16-.Ltmp11, $2  }
0xa3: {  	_ =	sdelay $0x2  }
0xa4: {  	[tilespmem:s19], [sflag:$0x1] =	stream.indirect.gather [hbm4b:s3+s17], $0x1, s18, s17, $0xb8;
	[tilespmem:$0x11000] =	vst v63  }
.LBB2_18:
0xa5: {  	_ =	sfence.sel $0x180000  }
0xa6: {  	[bflag:$0x0] =	sbarrier.arrive $0xFFFF  }
0xa7: {  	_ =	strace $0x90000050  }
0xa8: {  	s0 =	stileid.u32;
	[bflag:$0x2] =	sbarrier.arrive $0xFFFF  }
0xa9: {  	p0 =	sne.s32 s0, $0x0;
	s0 =	rddreg [dreg:$0x2]  }
0xaa: {  	s0 =	sadd.s32 @!p0 $0x100000, s0  }
0xab: {  	[sflag:s0] =	ssyncadd.tile.s32 @!p0 $0x1;
	_ =	shalt  }
.Lfunc_end2:
_tile_overlayer_lowered:
.L_overlay_start_2:
0xac: {  	(tag) =	ssettag $0x2  }
0xad: {  	s0 =	rddreg [dreg:$0x0];
	s2 =	stileid.u32  }
0xae: {  	s1 =	rddreg [dreg:$0x1];
	p0 =	sne.s32 s2, $0x0  }
0xaf: {  	s3 =	rddreg [dreg:$0x2];
	[bflag:$0x3] =	sbarrier.arrive $0xFFFF;
	s2 =	simm.s32 @!p0 $0x1C03  }
0xb0: {  	[timem:s3], [sflag:s2] =	dma.local @!p0 [hbm:s0], s1  }
0xb1: {  	s0 =	simm.s32 @!p0 $0x3  }
0xb2: {  	_ =	swait.ge @!p0 [sflag:s0], s1  }
0xb3: {  	s1 =	ssub.s32 @!p0 $0x0, s1;
	[sflag:s0] =	ssyncset.done @!p0 $0x0  }
0xb4: {  	[sflag:s0] =	ssyncadd.s32 @!p0 s1  }
0xb5: {  	[bflag:$0x3] =	sbarrier.arrive $0xFFFF  }
0xb6: {  	_ =	shalt  }

// kernel: sparse-core-data-format-call.1.cloned.1.call-start
scs
called_computation.1_lowered:
.L_overlay_start_0:
0x0: {  	s1 =	sld [smem:$0x3FD9]  }
0x1: {  	s2 =	sld [smem:$0x3FFE];
	_ =	sdelay $0x1  }
0x2: {  	s3 =	srdreg.scid  }
0x3: {  	s0 =	sand.u32 $0x1, s3  }
0x4: {  	s17 =	sshll.u32 s0, $0xA;
	s1 =	sadd.s32 s2, s1  }
0x5: {  	s1 =	sadd.s32 s1, s17  }
0x6: {  	[smem:$0x3FC6] =	sst s1  }
0x7: {  	_ = 	snop  }
0x8: {  	(tm) =	ssettm $0x1  }
0x9: {  	s18 =	sld [smem:$0x3FFB];
	_ =	sdelay $0x3  }
0xa: {  	_ =	strace s18  }
0xb: {  	s1 =	sld [smem:$0x3FFC];
	_ =	sdelay $0x3  }
0xc: {  	_ =	strace s1  }
0xd: {  	s1 =	sld [smem:$0x3FFD];
	_ =	sdelay $0x3  }
0xe: {  	_ =	strace s1  }
0xf: {  	_ =	strace $0x8FFFFFFF  }
0x10: {  	s19 =	sld [smem:$0x3FDB];
	_ =	sdelay $0x1  }
0x11: {  	s20 =	simm.s32 $_scs_section_size  }
0x12: {  	s4 =	simm.s32 $_size__tile_overlayer_lowered;
	s5 =	simm.s32 $_tile_overlayer_lowered  }
0x13: {  	s23 =	simm.s32 $0x1BFF;
	s22 =	sshll.u32 s5, $0x1;
	s1 =	sadd.s32 s20, s19  }
0x14: {  	s6 =	simm.s32 $0x0;
	s21 =	sshll.u32 s4, $0x1;
	s4 =	sadd.s32 s22, s1  }
0x15: {  	[timem:s6], [sflag:s23] =	dma.local [hbm:s4], s21  }
0x16: {  	_ =	swait.ge [sflag:s23], s21  }
0x17: {  	s2 =	ssub.s32 $0x0, s21;
	[sflag:s23] =	ssyncset.done $0x0  }
0x18: {  	[sflag:s23] =	ssyncadd.s32 s2;
	_ =	sdelay $0x1  }
0x19: {  	s24 =	simm.s32 $0x1B8B  }
0x1a: {  	_ =	swait.ge [sflag:s24], $0x1  }
0x1b: {  	[sflag:s24] =	ssyncset.done $0x0  }
0x1c: {  	s26 =	simm.s32 $0x1B8E;
	s25 =	sld [smem:$0x3FFE];
	[sflag:s24] =	ssyncadd.s32 $0xFFFFFFFF  }
0x1d: {  	s27 =	simm.s32 $execute0_lowered;
	[smem:$0x3FD2] =	sst s26  }
0x1e: {  	s4 =	sshll.u32 s27, $0x1;
	_ =	strace $0x80000046;
	[dreg:$0x1] =	wrdreg $0xFFFFFFFF  }
0x1f: {  	s28 =	simm.s32 $_size_execute0_lowered;
	s1 =	sadd.s32 s1, s4;
	[dreg:$0x0] =	wrdreg $0x0  }
0x20: {  	s4 =	sshll.u32 s28, $0x1;
	[dreg:$0x2] =	wrdreg s1  }
0x21: {  	[dreg:$0x3] =	wrdreg s4  }
0x22: {  	[dreg:$0x4] =	wrdreg $0xC0  }
0x23: {  	_ =	task [dreg:s6], $0x5FFFF  }
0x24: {  	[dreg:$0x1] =	wrdreg $0xFFFFFFFF  }
0x25: {  	[dreg:$0x0] =	wrdreg $0x60  }
0x26: {  	[dreg:$0x2] =	wrdreg s25  }
0x27: {  	[dreg:$0x3] =	wrdreg $0xA  }
0x28: {  	_ =	task.clear_ibuf [dreg:s6], $0x4FFFF;
	_ =	strace $0x90000046  }
0x29: {  	s29 =	simm.s32 $0xA;
	_ =	strace $0x80000048  }
0x2a: {  	_ =	swait.ge [sflag:s29], $0x1  }
0x2b: {  	[sflag:s29] =	ssyncadd.s32 $0xFFFFFFFF  }
0x2c: {  	_ =	strace $0x90000048  }
0x2d: {  	_ =	sfence  }
0x2e: {  	s30 =	sld [smem:$0x0];
	_ =	sdelay $0x2  }
0x2f: {  	s31 =	sshll.u32 s3, $0xD;
	s3 =	sshrl.u32 s3, $0x2  }
0x30: {  	s2 =	sand.u32 $0x4000, s31;
	s1 =	sadd.s32 s3, s30  }
0x31: {  	s0 =	sor.u32 s2, s0;
	s1 =	sshll.u32 s1, $0x11  }
0x32: {  	s0 =	sor.u32 s1, s0  }
0x33: {  	s0 =	sadd.s32 $0x8F2B, s0  }
0x34: {  	[sflag:s0] =	ssyncadd.remote.s32 $0x1  }
0x35: {  	_ =	sfence.sel $0xFFFF  }
0x36: {  	[dreg:$0x0] =	wrdreg $0xFFFFFFFF;
	(pc) =	sbr.abs _section_cstart, $3  }
0x37: {  	[dreg:$0x1] =	wrdreg $0xFFFFFFFF  }
0x38: {  	_ =	task.clear_ibuf [dreg:s6], $0x2FFFF;
	_ =	strace $0x9FFFFFFF  }
0x39: {  	(tm) =	ssettm $0x7FFFFFFF  }
tec
execute0_lowered:
.L_overlay_start_1:
0x0: {  	(tag) =	ssettag $0x1  }
0x1: {  	s0 =	srdreg.scid  }
0x2: {  	s1 =	sshll.u32 s0, $0x4  }
0x3: {  	s4 =	rddreg [dreg:$0x0];
	s0 =	stileid.u32;
	s1 =	sand.u32 $0x10, s1  }
0x4: {  	s7 =	simm.s32 $0x1;
	s8 =	simm.s32 $0x2;
	s1 =	sor.u32 s0, s1  }
0x5: {  	s9 =	simm.s32 $0x0;
	s12 =	simm.s32 $0x0;
	s2 =	sshll.u32 s1, $0x1  }
0x6: {  	s11 =	simm.s32 $0x0;
	s3 =	sadd.s32 $0x1000, s4;
	s6 =	ssub.s32 $0x400, s2  }
.Ltmp0:
0x7: {  	s4 =	sadd.s32 $0x101000, s4;
	s5 =	sand.u32 $0x3E, s6;
	(pc) =	sbr.rel .LBB1_1-.Ltmp0, $4  }
0x8: {  	s1 =	rddreg [dreg:$0x1];
	_ =	strace $0x80000047;
	p0 =	sne.s32 s5, $0x0  }
0x9: {  	s6 =	sshrl.u32 s6, $0x6;
	s5 =	simm.s32 $0x1;
	s7 =	simm.s32 @!p0 $0x0  }
0xa: {  	s10 =	smov.u32 s2;
	[sflag:s5] =	ssyncpa.u1 $0x0;
	s6 =	sadd.s32 s7, s6  }
0xb: {  	[sflag:s8] =	ssyncpa.u1 $0x0;
	s8 =	simm.s32 $0x0;
	s7 =	sadd.s32 $0x1, s6  }
.LBB1_9:
0xc: {  	s14 =	sadd.s32 $0x40, s10  }
0xd: {  	p1 =	sgt.s32 s14, $0x3FF  }
0xe: {  	s14 =	smov.u32 @p1 s2;
	p1 =	sne.s32 s11, s7  }
.Ltmp1:
0xf: {  	p0 =	slt.u32 s11, $0x2;
	(pc) =	sbr.rel @!p1 .LBB1_10-.Ltmp1, $4  }
0x10: {  	s13 =	simm.s32 @!p0 $0x2  }
0x11: {  	s15 =	sadd.s32 $0x1, s11;
	_ =	swait.ge @!p0 [sflag:s13], $0x4000  }
0x12: {  	s12 =	smov.u32 s10;
	s9 =	sadd.s32 $0x4000, s9;
	[sflag:s13] =	ssyncset.done @!p0 $0x0  }
0x13: {  	s11 =	smov.u32 s15;
	s10 =	smov.u32 s14;
	[sflag:s13] =	ssyncadd.s32 @!p0 $0xFFFFC000  }
.LBB1_1:
0x14: {  	p0 =	sge.u32 s11, s6  }
0x15: {  	s13 =	sxor.u32 @!p0 $0xFFFFFFFF, s11  }
0x16: {  	s31 =	sadd.s32 $0xFFFFFFFF, s11;
	s14 =	sshll.u32 @!p0 s10, $0xA;
	s13 =	sshll.u32 @!p0 s13, $0xE  }
0x17: {  	s15 =	simm.s32 @!p0 $0x0;
	s14 =	sadd.s32 @!p0 s3, s14;
	s13 =	sand.u32 @!p0 $0x4000, s13  }
0x18: {  	[tilespmem:s13], [sflag:$0x1] =	stream.linear.gather @!p0 [hbm4b:s14+s15], $0x4000, $0x38;
	[tilespmem:$0x10000] =	vst v63  }
0x19: {  	p0 =	sge.u32 s31, s6  }
.Ltmp2:
0x1a: {  	_ = 	snop;
	(pc) =	sbr.rel @p0 .LBB1_9-.Ltmp2, $1  }
0x1b: {  	_ =	sdelay $0x3  }
0x1c: {  	s13 =	sshll.u32 s9, $0x2  }
0x1d: {  	_ =	swait.ge [sflag:s5], $0x4000;
	s14 =	sshll.u32 s11, $0xE;
	s16 =	simm.s32 $0x0  }
0x1e: {  	p1 =	por $0x1, $0x1;
	s13 =	sand.u32 $0x10000, s13;
	[sflag:s5] =	ssyncset.done $0x0  }
0x1f: {  	s14 =	sand.u32 $0x4000, s14;
	s15 =	sshrl.u32 s13, $0x2;
	[sflag:s5] =	ssyncadd.s32 $0xFFFFC000  }
0x20: {  	s13 =	sor.u32 $0x8000, s14;
	s14 =	sadd.s32 $0x8040, s15;
	s15 =	sadd.s32 $0x40, s15  }
.LBB1_3:
0x21: {  	s16 =	sshll.u32 s16, $0x2  }
0x22: {  	p0 =	por p1, p1;
	s17 =	sshra.s32 s16, $0x2  }
0x23: {  	s18 =	simm.s32 $0x0;
	s16 =	sadd.s32 s17, s14;
	s17 =	sadd.s32 s17, s15  }
.LBB1_4:
0x24: {  	v0 =	vmov s17;
	_ =	sdelay $0x3  }
0x25: {  	s20 =	simm.s32 $0x0  }
0x26: {  	v6 =	vld.idx.msk [tilespmem:v0+s20+$0x30 ss:$0x1], $0xffff  }
0x27: {  	v7 =	vld.idx.msk [tilespmem:v0+s20+$0xFFFFFFC0 ss:$0x1], $0xffff  }
0x28: {  	v5 =	vld.idx.msk [tilespmem:v0+s20+$0xFFFFFFD0 ss:$0x1], $0xffff  }
0x29: {  	v4 =	vld.idx.msk [tilespmem:v0+s20+$0xFFFFFFE0 ss:$0x1], $0xffff  }
0x2a: {  	v3 =	vld.idx.msk [tilespmem:v0+s20+$0xFFFFFFF0 ss:$0x1], $0xffff  }
0x2b: {  	v1 =	vld.idx.msk [tilespmem:v0+s20+$0x0 ss:$0x1], $0xffff  }
0x2c: {  	v2 =	vld.idx.msk [tilespmem:v0+s20+$0x10 ss:$0x1], $0xffff;
	[tilespmem:s16+$0x30] =	vst v6  }
0x2d: {  	s19 =	simm.s32 $0x80;
	s21 =	simm.s32 $0x400;
	[tilespmem:s16+$0xFFFFFFC0] =	vst v7;
	v6 =	vld.idx.msk [tilespmem:v0+s20+$0x20 ss:$0x1], $0xffff;
	s20 =	smov.u32 s16  }
.LBB1_5:
0x2e: {  	p1 =	sne.s32 s21, $0xE00;
	v7 =	vld.idx.msk [tilespmem:v0+s19+$0x30 ss:$0x1], $0xffff;
	[tilespmem:s20+$0xFFFFFFD0] =	vst v5  }
0x2f: {  	v8 =	vld.idx.msk [tilespmem:v0+s19+$0xFFFFFFC0 ss:$0x1], $0xffff;
	[tilespmem:s20+$0xFFFFFFE0] =	vst v4  }
0x30: {  	v5 =	vld.idx.msk [tilespmem:v0+s19+$0xFFFFFFD0 ss:$0x1], $0xffff;
	[tilespmem:s20+$0xFFFFFFF0] =	vst v3  }
.Ltmp3:
0x31: {  	v4 =	vld.idx.msk [tilespmem:v0+s19+$0xFFFFFFE0 ss:$0x1], $0xffff;
	[tilespmem:s20+$0x0] =	vst v1;
	(pc) =	sbr.rel @p1 .LBB1_5-.Ltmp3, $4  }
0x32: {  	v3 =	vld.idx.msk [tilespmem:v0+s19+$0xFFFFFFF0 ss:$0x1], $0xffff;
	[tilespmem:s20+$0x10] =	vst v2  }
0x33: {  	v1 =	vld.idx.msk [tilespmem:v0+s19+$0x0 ss:$0x1], $0xffff;
	[tilespmem:s20+$0x20] =	vst v6;
	s20 =	sadd.s32 $0x400, s20  }
0x34: {  	v2 =	vld.idx.msk [tilespmem:v0+s19+$0x10 ss:$0x1], $0xffff;
	[tilespmem:s20+$0x30] =	vst v7  }
0x35: {  	[tilespmem:s20+$0xFFFFFFC0] =	vst v8;
	v6 =	vld.idx.msk [tilespmem:v0+s19+$0x20 ss:$0x1], $0xffff;
	s19 =	sshra.s32 s21, $0x2;
	s21 =	sadd.s32 $0x200, s21  }
0x36: {  	_ =	sdelay $0x2  }
0x37: {  	[tilespmem:s20+$0xFFFFFFD0] =	vst v5  }
0x38: {  	v56 =	vld.idx.msk [tilespmem:v0+s19+$0x30 ss:$0x1], $0xffff;
	[tilespmem:s20+$0xFFFFFFE0] =	vst v4  }
0x39: {  	v57 =	vld.idx.msk [tilespmem:v0+s19+$0xFFFFFFC0 ss:$0x1], $0xffff;
	[tilespmem:s20+$0xFFFFFFF0] =	vst v3  }
0x3a: {  	v58 =	vld.idx.msk [tilespmem:v0+s19+$0xFFFFFFD0 ss:$0x1], $0xffff;
	[tilespmem:s20+$0x0] =	vst v1  }
0x3b: {  	v59 =	vld.idx.msk [tilespmem:v0+s19+$0xFFFFFFE0 ss:$0x1], $0xffff;
	[tilespmem:s20+$0x10] =	vst v2  }
0x3c: {  	v60 =	vld.idx.msk [tilespmem:v0+s19+$0xFFFFFFF0 ss:$0x1], $0xffff;
	s31 =	sadd.s32 $0x400, s20;
	[tilespmem:s20+$0x20] =	vst v6  }
0x3d: {  	v61 =	vld.idx.msk [tilespmem:v0+s19+$0x0 ss:$0x1], $0xffff;
	[tilespmem:s31+$0x30] =	vst v56  }
0x3e: {  	v62 =	vld.idx.msk [tilespmem:v0+s19+$0x10 ss:$0x1], $0xffff;
	s18 =	sadd.s32 $0x1, s18;
	[tilespmem:s31+$0xFFFFFFC0] =	vst v57  }
0x3f: {  	v63 =	vld.idx.msk [tilespmem:v0+s19+$0x20 ss:$0x1], $0xffff;
	p1 =	sne.s32 s18, $0x8;
	[tilespmem:s31+$0xFFFFFFD0] =	vst v58  }
.Ltmp4:
0x40: {  	[tilespmem:s31+$0xFFFFFFE0] =	vst v59;
	(pc) =	sbr.rel @p1 .LBB1_4-.Ltmp4, $4  }
0x41: {  	[tilespmem:s31+$0xFFFFFFF0] =	vst v60  }
0x42: {  	[tilespmem:s31+$0x0] =	vst v61  }
0x43: {  	[tilespmem:s31+$0x10] =	vst v62  }
0x44: {  	s16 =	sadd.s32 $0x80, s16;
	s17 =	sadd.s32 $0x400, s17;
	[tilespmem:s31+$0x20] =	vst v63  }
.Ltmp5:
0x45: {  	(pc) =	sbr.rel @p0 .LBB1_3-.Ltmp5, $2  }
0x46: {  	_ =	sdelay $0x2  }
0x47: {  	s16 =	simm.s32 $0x2000;
	p1 =	por $0x0, $0x0  }
.Ltmp6:
0x48: {  	(pc) =	sbr.rel .LBB1_9-.Ltmp6, $4  }
0x49: {  	_ = 	snop  }
0x4a: {  	s12 =	sshll.u32 s12, $0xA  }
0x4b: {  	s12 =	sadd.s32 s4, s12  }
0x4c: {  	[hbm4b:s12+s8] =	stream.linear.scatter [tilespmem:s13], [sflag:$0x2], $0x4000, $0x38;
	[tilespmem:$0x10000] =	vst v63  }
.LBB1_10:
0x4d: {  	_ =	sfence.sel $0x180000  }
0x4e: {  	s2 =	simm.s32 $0x1;
	[bflag:$0x0] =	sbarrier.arrive $0xFFFF  }
0x4f: {  	s31 =	simm.s32 $0x2;
	[sflag:s2] =	ssyncpa.u1 $0x1  }
0x50: {  	[sflag:s31] =	ssyncpa.u1 $0x1  }
0x51: {  	p0 =	sne.s32 s0, $0x0;
	_ =	strace $0x90000047  }
0x52: {  	s0 =	sadd.s32 @!p0 $0x100000, s1;
	[bflag:$0x2] =	sbarrier.arrive $0xFFFF  }
0x53: {  	[sflag:s0] =	ssyncadd.tile.s32 @!p0 $0x1;
	_ =	shalt  }
.Lfunc_end1:
_tile_overlayer_lowered:
.L_overlay_start_2:
0x54: {  	(tag) =	ssettag $0x2  }
0x55: {  	s0 =	rddreg [dreg:$0x0];
	s2 =	stileid.u32  }
0x56: {  	s1 =	rddreg [dreg:$0x1];
	p0 =	sne.s32 s2, $0x0  }
0x57: {  	s3 =	rddreg [dreg:$0x2];
	[bflag:$0x3] =	sbarrier.arrive $0xFFFF;
	s2 =	simm.s32 @!p0 $0x1C01  }
0x58: {  	[timem:s3], [sflag:s2] =	dma.local @!p0 [hbm:s0], s1  }
0x59: {  	s0 =	simm.s32 @!p0 $0x1  }
0x5a: {  	_ =	swait.ge @!p0 [sflag:s0], s1  }
0x5b: {  	s1 =	ssub.s32 @!p0 $0x0, s1;
	[sflag:s0] =	ssyncset.done @!p0 $0x0  }
0x5c: {  	[sflag:s0] =	ssyncadd.s32 @!p0 s1  }
0x5d: {  	[bflag:$0x3] =	sbarrier.arrive $0xFFFF  }
0x5e: {  	_ =	shalt  }

// kernel: sparse-core-data-format-call.cloned.1.call-start
scs
called_computation_lowered:
.L_overlay_start_0:
0x0: {  	s2 =	sld [smem:$0x3FD9]  }
0x1: {  	s3 =	sld [smem:$0x3FFE];
	_ =	sdelay $0x1  }
0x2: {  	s1 =	srdreg.scid  }
0x3: {  	s0 =	sand.u32 $0x1, s1  }
0x4: {  	s18 =	sshll.u32 s0, $0xA;
	s2 =	sadd.s32 s3, s2  }
0x5: {  	s2 =	sadd.s32 s2, s18  }
0x6: {  	[smem:$0x3FC6] =	sst s2  }
0x7: {  	_ = 	snop  }
0x8: {  	s19 =	sld [smem:$0x3FC9];
	(tm) =	ssettm $0x1  }
0x9: {  	s20 =	sld [smem:$0x3FFB];
	_ =	sdelay $0x3  }
0xa: {  	_ =	strace s20  }
0xb: {  	s2 =	sld [smem:$0x3FFC];
	_ =	sdelay $0x3  }
0xc: {  	_ =	strace s2  }
0xd: {  	s2 =	sld [smem:$0x3FFD];
	_ =	sdelay $0x3  }
0xe: {  	_ =	strace s2  }
0xf: {  	_ =	strace $0x8FFFFFFF  }
0x10: {  	s21 =	sld [smem:$0x3FDB];
	_ =	sdelay $0x1  }
0x11: {  	s4 =	simm.s32 $_scs_section_size  }
0x12: {  	s5 =	simm.s32 $_size__tile_overlayer_lowered;
	s6 =	simm.s32 $_tile_overlayer_lowered  }
0x13: {  	s7 =	simm.s32 $0x1BFF;
	s22 =	sshll.u32 s6, $0x1;
	s4 =	sadd.s32 s4, s21  }
0x14: {  	s23 =	simm.s32 $0x0;
	s5 =	sshll.u32 s5, $0x1;
	s6 =	sadd.s32 s22, s4  }
0x15: {  	[timem:s23], [sflag:s7] =	dma.local [hbm:s6], s5  }
0x16: {  	_ =	swait.ge [sflag:s7], s5  }
0x17: {  	s5 =	ssub.s32 $0x0, s5;
	[sflag:s7] =	ssyncset.done $0x0  }
0x18: {  	[sflag:s7] =	ssyncadd.s32 s5;
	_ =	sdelay $0x1  }
0x19: {  	s24 =	simm.s32 $0x1B8B  }
0x1a: {  	_ =	swait.ge [sflag:s24], $0x1  }
0x1b: {  	[sflag:s24] =	ssyncset.done $0x0  }
0x1c: {  	[sflag:s24] =	ssyncadd.s32 $0xFFFFFFFF  }
0x1d: {  	s5 =	sld [smem:$0x0]  }
0x1e: {  	s6 =	sand.u32 $0xFFFFFFFE, s1  }
0x1f: {  	p0 =	sne.s32 s1, s6  }
0x20: {  	s6 =	sshll.u32 @p0 s6, $0xE  }
0x21: {  	s6 =	sadd.s32 @p0 $0x11B8D, s6;
	s7 =	sshll.u32 @p0 s5, $0x11  }
0x22: {  	s6 =	sor.u32 @p0 s7, s6  }
0x23: {  	[sflag:s6] =	ssyncadd.remote.s32 @p0 $0x1;
	_ =	sdelay $0x1  }
0x24: {  	s6 =	simm.s32 @p0 $0x1B8D  }
0x25: {  	_ =	swait.eq @p0 [sflag:s6], $0x1  }
0x26: {  	[sflag:s6] =	ssyncadd.s32 @p0 $0xFFFFFFFF  }
0x27: {  	s7 =	sshll.u32 @!p0 s1, $0xE  }
0x28: {  	s7 =	sor.u32 @!p0 $0x4000, s7;
	s6 =	simm.s32 @!p0 $0x1B8D  }
0x29: {  	s5 =	sshll.u32 @!p0 s5, $0x11;
	s7 =	sadd.s32 @!p0 $0x11B8D, s7;
	_ =	swait.eq @!p0 [sflag:s6], $0x1  }
0x2a: {  	s5 =	sor.u32 @!p0 s5, s7;
	[sflag:s6] =	ssyncadd.s32 @!p0 $0xFFFFFFFF  }
0x2b: {  	s26 =	simm.s32 $0x1B8E;
	s25 =	sld [smem:$0x3FFE];
	[sflag:s5] =	ssyncadd.remote.s32 @!p0 $0x1  }
0x2c: {  	s27 =	simm.s32 $execute0_lowered;
	[smem:$0x3FD2] =	sst s26  }
0x2d: {  	s6 =	sshll.u32 s27, $0x1;
	_ =	strace $0x80000049;
	[dreg:$0x1] =	wrdreg $0xFFFFFFFF  }
0x2e: {  	s28 =	simm.s32 $_size_execute0_lowered;
	s4 =	sadd.s32 s4, s6;
	[dreg:$0x0] =	wrdreg $0x0  }
0x2f: {  	s6 =	sshll.u32 s28, $0x1;
	[dreg:$0x2] =	wrdreg s4  }
0x30: {  	[dreg:$0x3] =	wrdreg s6  }
0x31: {  	[dreg:$0x4] =	wrdreg $0xC0  }
0x32: {  	_ =	task [dreg:s23], $0x5FFFF  }
0x33: {  	[dreg:$0x1] =	wrdreg $0xFFFFFFFF  }
0x34: {  	[dreg:$0x0] =	wrdreg $0x60  }
0x35: {  	[dreg:$0x2] =	wrdreg s19  }
0x36: {  	[dreg:$0x3] =	wrdreg s25  }
0x37: {  	[dreg:$0x4] =	wrdreg $0x9  }
0x38: {  	_ =	task.clear_ibuf [dreg:s23], $0x5FFFF;
	_ =	strace $0x90000049  }
0x39: {  	s29 =	simm.s32 $0x9;
	_ =	strace $0x8000004B  }
0x3a: {  	_ =	swait.ge [sflag:s29], $0x1  }
0x3b: {  	[sflag:s29] =	ssyncadd.s32 $0xFFFFFFFF  }
0x3c: {  	_ =	strace $0x9000004B  }
0x3d: {  	_ =	sfence  }
0x3e: {  	s30 =	sld [smem:$0x0];
	_ =	sdelay $0x2  }
0x3f: {  	s31 =	sshll.u32 s1, $0xD;
	s1 =	sshrl.u32 s1, $0x2  }
0x40: {  	s4 =	sand.u32 $0x4000, s31;
	s1 =	sadd.s32 s1, s30  }
0x41: {  	s0 =	sor.u32 s4, s0;
	s1 =	sshll.u32 s1, $0x11  }
0x42: {  	s0 =	sor.u32 s1, s0  }
0x43: {  	s0 =	sadd.s32 $0x8F2B, s0  }
0x44: {  	[sflag:s0] =	ssyncadd.remote.s32 $0x1  }
0x45: {  	_ =	sfence.sel $0xFFFF  }
0x46: {  	[dreg:$0x0] =	wrdreg $0xFFFFFFFF;
	(pc) =	sbr.abs _section_cstart, $3  }
0x47: {  	[dreg:$0x1] =	wrdreg $0xFFFFFFFF  }
0x48: {  	_ =	task.clear_ibuf [dreg:s23], $0x2FFFF;
	_ =	strace $0x9FFFFFFF  }
0x49: {  	(tm) =	ssettm $0x7FFFFFFF  }
tec
execute0_lowered:
.L_overlay_start_1:
0x0: {  	(tag) =	ssettag $0x1  }
0x1: {  	s0 =	srdreg.scid  }
0x2: {  	s1 =	sshll.u32 s0, $0x4  }
0x3: {  	s2 =	rddreg [dreg:$0x0];
	s0 =	stileid.u32;
	s1 =	sand.u32 $0x10, s1  }
0x4: {  	s4 =	rddreg [dreg:$0x1];
	s7 =	simm.s32 $0x1;
	s1 =	sor.u32 s0, s1  }
0x5: {  	s8 =	simm.s32 $0x2;
	s9 =	simm.s32 $0x0;
	s3 =	sshll.u32 s1, $0x1  }
0x6: {  	s12 =	simm.s32 $0x0;
	s11 =	simm.s32 $0x0;
	s6 =	ssub.s32 $0x400, s3  }
.Ltmp0:
0x7: {  	s4 =	sadd.s32 $0x201000, s4;
	s5 =	sand.u32 $0x3E, s6;
	(pc) =	sbr.rel .LBB1_1-.Ltmp0, $4  }
0x8: {  	s1 =	rddreg [dreg:$0x2];
	_ =	strace $0x8000004A;
	p0 =	sne.s32 s5, $0x0  }
0x9: {  	s6 =	sshrl.u32 s6, $0x6;
	s5 =	simm.s32 $0x1;
	s7 =	simm.s32 @!p0 $0x0  }
0xa: {  	s10 =	smov.u32 s3;
	[sflag:s5] =	ssyncpa.u1 $0x0;
	s6 =	sadd.s32 s7, s6  }
0xb: {  	[sflag:s8] =	ssyncpa.u1 $0x0;
	s8 =	simm.s32 $0x0;
	s7 =	sadd.s32 $0x1, s6  }
.LBB1_9:
0xc: {  	s14 =	sadd.s32 $0x40, s10  }
0xd: {  	p1 =	sgt.s32 s14, $0x3FF  }
0xe: {  	s14 =	smov.u32 @p1 s3;
	p1 =	sne.s32 s11, s7  }
.Ltmp1:
0xf: {  	p0 =	slt.u32 s11, $0x2;
	(pc) =	sbr.rel @!p1 .LBB1_10-.Ltmp1, $4  }
0x10: {  	s13 =	simm.s32 @!p0 $0x2  }
0x11: {  	s15 =	sadd.s32 $0x1, s11;
	_ =	swait.ge @!p0 [sflag:s13], $0x4000  }
0x12: {  	s12 =	smov.u32 s10;
	s9 =	sadd.s32 $0x4000, s9;
	[sflag:s13] =	ssyncset.done @!p0 $0x0  }
0x13: {  	s11 =	smov.u32 s15;
	s10 =	smov.u32 s14;
	[sflag:s13] =	ssyncadd.s32 @!p0 $0xFFFFC000  }
.LBB1_1:
0x14: {  	p0 =	sge.u32 s11, s6  }
0x15: {  	s13 =	sxor.u32 @!p0 $0xFFFFFFFF, s11  }
0x16: {  	s31 =	sadd.s32 $0xFFFFFFFF, s11;
	s14 =	sshll.u32 @!p0 s10, $0xA;
	s13 =	sshll.u32 @!p0 s13, $0xE  }
0x17: {  	s15 =	simm.s32 @!p0 $0x0;
	s14 =	sadd.s32 @!p0 s2, s14;
	s13 =	sand.u32 @!p0 $0x4000, s13  }
0x18: {  	[tilespmem:s13], [sflag:$0x1] =	stream.linear.gather @!p0 [hbm4b:s14+s15], $0x4000, $0x38;
	[tilespmem:$0x10000] =	vst v63  }
0x19: {  	p0 =	sge.u32 s31, s6  }
.Ltmp2:
0x1a: {  	_ = 	snop;
	(pc) =	sbr.rel @p0 .LBB1_9-.Ltmp2, $1  }
0x1b: {  	_ =	sdelay $0x3  }
0x1c: {  	s13 =	sshll.u32 s9, $0x2  }
0x1d: {  	_ =	swait.ge [sflag:s5], $0x4000;
	s14 =	sshll.u32 s11, $0xE;
	s16 =	simm.s32 $0x0  }
0x1e: {  	p1 =	por $0x1, $0x1;
	s13 =	sand.u32 $0x10000, s13;
	[sflag:s5] =	ssyncset.done $0x0  }
0x1f: {  	s14 =	sand.u32 $0x4000, s14;
	s15 =	sshrl.u32 s13, $0x2;
	[sflag:s5] =	ssyncadd.s32 $0xFFFFC000  }
0x20: {  	s13 =	sor.u32 $0x8000, s14;
	s14 =	sadd.s32 $0x8040, s15;
	s15 =	sadd.s32 $0x40, s15  }
.LBB1_3:
0x21: {  	s16 =	sshll.u32 s16, $0x2  }
0x22: {  	p0 =	por p1, p1;
	s17 =	sshra.s32 s16, $0x2  }
0x23: {  	s18 =	simm.s32 $0x0;
	s16 =	sadd.s32 s17, s14;
	s17 =	sadd.s32 s17, s15  }
.LBB1_4:
0x24: {  	v0 =	vmov s17;
	_ =	sdelay $0x3  }
0x25: {  	s20 =	simm.s32 $0x0  }
0x26: {  	v6 =	vld.idx.msk [tilespmem:v0+s20+$0x30 ss:$0x1], $0xffff  }
0x27: {  	v7 =	vld.idx.msk [tilespmem:v0+s20+$0xFFFFFFC0 ss:$0x1], $0xffff  }
0x28: {  	v5 =	vld.idx.msk [tilespmem:v0+s20+$0xFFFFFFD0 ss:$0x1], $0xffff  }
0x29: {  	v4 =	vld.idx.msk [tilespmem:v0+s20+$0xFFFFFFE0 ss:$0x1], $0xffff  }
0x2a: {  	v3 =	vld.idx.msk [tilespmem:v0+s20+$0xFFFFFFF0 ss:$0x1], $0xffff  }
0x2b: {  	v1 =	vld.idx.msk [tilespmem:v0+s20+$0x0 ss:$0x1], $0xffff  }
0x2c: {  	v2 =	vld.idx.msk [tilespmem:v0+s20+$0x10 ss:$0x1], $0xffff;
	[tilespmem:s16+$0x30] =	vst v6  }
0x2d: {  	s19 =	simm.s32 $0x80;
	s21 =	simm.s32 $0x400;
	[tilespmem:s16+$0xFFFFFFC0] =	vst v7;
	v6 =	vld.idx.msk [tilespmem:v0+s20+$0x20 ss:$0x1], $0xffff;
	s20 =	smov.u32 s16  }
.LBB1_5:
0x2e: {  	p1 =	sne.s32 s21, $0xE00;
	v7 =	vld.idx.msk [tilespmem:v0+s19+$0x30 ss:$0x1], $0xffff;
	[tilespmem:s20+$0xFFFFFFD0] =	vst v5  }
0x2f: {  	v8 =	vld.idx.msk [tilespmem:v0+s19+$0xFFFFFFC0 ss:$0x1], $0xffff;
	[tilespmem:s20+$0xFFFFFFE0] =	vst v4  }
0x30: {  	v5 =	vld.idx.msk [tilespmem:v0+s19+$0xFFFFFFD0 ss:$0x1], $0xffff;
	[tilespmem:s20+$0xFFFFFFF0] =	vst v3  }
.Ltmp3:
0x31: {  	v4 =	vld.idx.msk [tilespmem:v0+s19+$0xFFFFFFE0 ss:$0x1], $0xffff;
	[tilespmem:s20+$0x0] =	vst v1;
	(pc) =	sbr.rel @p1 .LBB1_5-.Ltmp3, $4  }
0x32: {  	v3 =	vld.idx.msk [tilespmem:v0+s19+$0xFFFFFFF0 ss:$0x1], $0xffff;
	[tilespmem:s20+$0x10] =	vst v2  }
0x33: {  	v1 =	vld.idx.msk [tilespmem:v0+s19+$0x0 ss:$0x1], $0xffff;
	[tilespmem:s20+$0x20] =	vst v6;
	s20 =	sadd.s32 $0x400, s20  }
0x34: {  	v2 =	vld.idx.msk [tilespmem:v0+s19+$0x10 ss:$0x1], $0xffff;
	[tilespmem:s20+$0x30] =	vst v7  }
0x35: {  	[tilespmem:s20+$0xFFFFFFC0] =	vst v8;
	v6 =	vld.idx.msk [tilespmem:v0+s19+$0x20 ss:$0x1], $0xffff;
	s19 =	sshra.s32 s21, $0x2;
	s21 =	sadd.s32 $0x200, s21  }
0x36: {  	_ =	sdelay $0x2  }
0x37: {  	[tilespmem:s20+$0xFFFFFFD0] =	vst v5  }
0x38: {  	v56 =	vld.idx.msk [tilespmem:v0+s19+$0x30 ss:$0x1], $0xffff;
	[tilespmem:s20+$0xFFFFFFE0] =	vst v4  }
0x39: {  	v57 =	vld.idx.msk [tilespmem:v0+s19+$0xFFFFFFC0 ss:$0x1], $0xffff;
	[tilespmem:s20+$0xFFFFFFF0] =	vst v3  }
0x3a: {  	v58 =	vld.idx.msk [tilespmem:v0+s19+$0xFFFFFFD0 ss:$0x1], $0xffff;
	[tilespmem:s20+$0x0] =	vst v1  }
0x3b: {  	v59 =	vld.idx.msk [tilespmem:v0+s19+$0xFFFFFFE0 ss:$0x1], $0xffff;
	[tilespmem:s20+$0x10] =	vst v2  }
0x3c: {  	v60 =	vld.idx.msk [tilespmem:v0+s19+$0xFFFFFFF0 ss:$0x1], $0xffff;
	s31 =	sadd.s32 $0x400, s20;
	[tilespmem:s20+$0x20] =	vst v6  }
0x3d: {  	v61 =	vld.idx.msk [tilespmem:v0+s19+$0x0 ss:$0x1], $0xffff;
	[tilespmem:s31+$0x30] =	vst v56  }
0x3e: {  	v62 =	vld.idx.msk [tilespmem:v0+s19+$0x10 ss:$0x1], $0xffff;
	s18 =	sadd.s32 $0x1, s18;
	[tilespmem:s31+$0xFFFFFFC0] =	vst v57  }
0x3f: {  	v63 =	vld.idx.msk [tilespmem:v0+s19+$0x20 ss:$0x1], $0xffff;
	p1 =	sne.s32 s18, $0x8;
	[tilespmem:s31+$0xFFFFFFD0] =	vst v58  }
.Ltmp4:
0x40: {  	[tilespmem:s31+$0xFFFFFFE0] =	vst v59;
	(pc) =	sbr.rel @p1 .LBB1_4-.Ltmp4, $4  }
0x41: {  	[tilespmem:s31+$0xFFFFFFF0] =	vst v60  }
0x42: {  	[tilespmem:s31+$0x0] =	vst v61  }
0x43: {  	[tilespmem:s31+$0x10] =	vst v62  }
0x44: {  	s16 =	sadd.s32 $0x80, s16;
	s17 =	sadd.s32 $0x400, s17;
	[tilespmem:s31+$0x20] =	vst v63  }
.Ltmp5:
0x45: {  	(pc) =	sbr.rel @p0 .LBB1_3-.Ltmp5, $2  }
0x46: {  	_ =	sdelay $0x2  }
0x47: {  	s16 =	simm.s32 $0x2000;
	p1 =	por $0x0, $0x0  }
.Ltmp6:
0x48: {  	(pc) =	sbr.rel .LBB1_9-.Ltmp6, $4  }
0x49: {  	_ = 	snop  }
0x4a: {  	s12 =	sshll.u32 s12, $0xA  }
0x4b: {  	s12 =	sadd.s32 s4, s12  }
0x4c: {  	[hbm4b:s12+s8] =	stream.linear.scatter [tilespmem:s13], [sflag:$0x2], $0x4000, $0x38;
	[tilespmem:$0x10000] =	vst v63  }
.LBB1_10:
0x4d: {  	_ =	sfence.sel $0x180000  }
0x4e: {  	s2 =	simm.s32 $0x1;
	[bflag:$0x0] =	sbarrier.arrive $0xFFFF  }
0x4f: {  	s31 =	simm.s32 $0x2;
	[sflag:s2] =	ssyncpa.u1 $0x1  }
0x50: {  	[sflag:s31] =	ssyncpa.u1 $0x1  }
0x51: {  	p0 =	sne.s32 s0, $0x0;
	_ =	strace $0x9000004A  }
0x52: {  	s0 =	sadd.s32 @!p0 $0x100000, s1;
	[bflag:$0x2] =	sbarrier.arrive $0xFFFF  }
0x53: {  	[sflag:s0] =	ssyncadd.tile.s32 @!p0 $0x1;
	_ =	shalt  }
.Lfunc_end1:
_tile_overlayer_lowered:
.L_overlay_start_2:
0x54: {  	(tag) =	ssettag $0x2  }
0x55: {  	s0 =	rddreg [dreg:$0x0];
	s2 =	stileid.u32  }
0x56: {  	s1 =	rddreg [dreg:$0x1];
	p0 =	sne.s32 s2, $0x0  }
0x57: {  	s3 =	rddreg [dreg:$0x2];
	[bflag:$0x3] =	sbarrier.arrive $0xFFFF;
	s2 =	simm.s32 @!p0 $0x1C01  }
0x58: {  	[timem:s3], [sflag:s2] =	dma.local @!p0 [hbm:s0], s1  }
0x59: {  	s0 =	simm.s32 @!p0 $0x1  }
0x5a: {  	_ =	swait.ge @!p0 [sflag:s0], s1  }
0x5b: {  	s1 =	ssub.s32 @!p0 $0x0, s1;
	[sflag:s0] =	ssyncset.done @!p0 $0x0  }
0x5c: {  	[sflag:s0] =	ssyncadd.s32 @!p0 s1  }
0x5d: {  	[bflag:$0x3] =	sbarrier.arrive $0xFFFF  }
0x5e: {  	_ =	shalt  }

</sc_bundles>
